<compile_context>
chip_gen: v7x
topology: tpu7x:2x2x1
jax: 0.10.2.dev20260603
libtpu: 0.0.44.dev20260713+nightly
codegen_flags: <defaults>
</compile_context>

<pallas_src>
import functools

import jax
import jax.numpy as jnp
from jax import lax
from jax.experimental import pallas as pl
from jax.experimental.pallas import tpu as pltpu
from jax.experimental.pallas import tpu_sc as plsc

_L = 1024
_NT = 16
_RPT = _L // _NT
_CH = _L // 16
_NEG = -1e30


def _sc_body(con_hbm, conT_hbm, seq_hbm, out_hbm, w_v, stage_v, seq_v,
             pairs_v, free_v, bv_v, bc_v, mval_v, mcol_v,
             bv_sh, bc_sh, dma_sem):
    cid = lax.axis_index("c")
    sid = lax.axis_index("s")

    @pl.when(cid == 0)
    def _():
        base = sid * _RPT

        w_dma = pltpu.async_copy(con_hbm.at[pl.ds(base, _RPT)], w_v, dma_sem)
        pltpu.sync_copy(seq_hbm, seq_v)

        @plsc.parallel_loop(0, _CH, unroll=8)
        def _pairs(c):
            sl = pl.ds(c * 16, 16)
            s0 = seq_v[0, sl]
            s1 = seq_v[1, sl]
            s2 = seq_v[2, sl]
            s3 = seq_v[3, sl]
            m = jnp.maximum(jnp.maximum(s0, s1), jnp.maximum(s2, s3))
            p = jnp.where(
                s0 == m, 2.0, jnp.where(s1 == m, 3.0, jnp.where(s2 == m, 5.0, 7.0))
            ).astype(jnp.float32)
            pairs_v[sl] = p
            free_v[sl] = jnp.full((16,), 1.0, jnp.float32)

        @plsc.parallel_loop(0, _RPT // 16, unroll=1)
        def _initm(g):
            sl = pl.ds(g * 16, 16)
            mval_v[sl] = jnp.zeros((16,), jnp.float32)
            mcol_v[sl] = jnp.full((16,), -1, jnp.int32)

        w_dma.wait()

        def build_group(g, carry):
            pltpu.sync_copy(conT_hbm.at[pl.ds(base + g * 16, 16)], stage_v)

            def row_body(r, carry2):
                row = g * 16 + r
                i = base + row
                pair_i = plsc.load_gather(
                    pairs_v, [jnp.full((16,), i, jnp.int32)]
                )

                @plsc.parallel_loop(0, _CH, unroll=8)
                def _chunk(c):
                    sl = pl.ds(c * 16, 16)
                    col = c * 16 + lax.iota(jnp.int32, 16)
                    v = jnp.where(col - i >= 5, w_v[row, sl], stage_v[r, sl])
                    band = jnp.abs(col - i) >= 5
                    prod = pair_i * pairs_v[sl]
                    ok = (prod == 14.0) | (prod == 15.0) | (prod == 35.0)
                    w_v[row, sl] = jnp.where(band & ok, v, 0.0)

                return carry2

            lax.fori_loop(0, 16, row_body, 0)
            return carry

        lax.fori_loop(0, _RPT // 16, build_group, 0)

        def round_cond(gmax):
            return gmax > 0.0

        def round_body(gmax):
            def row_group(g, carry):
                def one_row(r, st):
                    bv16, bc16 = st
                    row = g * 16 + r
                    i = base + row
                    rowfree = jnp.max(
                        plsc.load_gather(free_v, [jnp.full((16,), i, jnp.int32)])
                    )

                    def do_scan():
                        init = (
                            jnp.full((16,), _NEG, jnp.float32),
                            jnp.full((16,), _L, jnp.int32),
                        )

                        @plsc.parallel_loop(0, _CH, unroll=8, carry=init)
                        def scan(c, st2):
                            maxv, bcol = st2
                            sl = pl.ds(c * 16, 16)
                            col = c * 16 + lax.iota(jnp.int32, 16)
                            v = jnp.where(free_v[sl] > 0.0, w_v[row, sl], _NEG)
                            gt = v > maxv
                            return (
                                jnp.maximum(v, maxv),
                                jnp.where(gt, col, bcol),
                            )

                        maxv, bcol = scan
                        bv = jnp.max(maxv)
                        bc = jnp.min(jnp.where(maxv == bv, bcol, _L))
                        return bv, bc

                    def no_scan():
                        return jnp.float32(_NEG), jnp.int32(-1)

                    bv, bc = lax.cond(rowfree > 0.0, do_scan, no_scan)
                    lane = lax.iota(jnp.int32, 16) == r
                    return jnp.where(lane, bv, bv16), jnp.where(lane, bc, bc16)

                bv16, bc16 = lax.fori_loop(
                    0,
                    16,
                    one_row,
                    (
                        jnp.full((16,), _NEG, jnp.float32),
                        jnp.full((16,), -1, jnp.int32),
                    ),
                )
                sl = pl.ds(base + g * 16, 16)
                bv_v[sl] = bv16
                bc_v[sl] = bc16
                return carry

            lax.fori_loop(0, _RPT // 16, row_group, 0)

            p1 = pltpu.async_copy(
                bv_v.at[pl.ds(base, _RPT)], bv_sh.at[pl.ds(base, _RPT)], dma_sem
            )
            p2 = pltpu.async_copy(
                bc_v.at[pl.ds(base, _RPT)], bc_sh.at[pl.ds(base, _RPT)], dma_sem
            )
            p1.wait()
            p2.wait()
            plsc.subcore_barrier()
            r1 = pltpu.async_copy(bv_sh, bv_v, dma_sem)
            r2 = pltpu.async_copy(bc_sh, bc_v, dma_sem)
            r1.wait()
            r2.wait()

            def rec_group(g, carry):
                sl_g = pl.ds(base + g * 16, 16)
                i_vec = base + g * 16 + lax.iota(jnp.int32, 16)
                bv = bv_v[sl_g]
                bc = bc_v[sl_g]
                jc = jnp.clip(bc, 0, _L - 1)
                bc_j = plsc.load_gather(bc_v, [jc])
                rec = (bv > 0.0) & (bc_j == i_vec)
                msl = pl.ds(g * 16, 16)
                mval_v[msl] = jnp.where(rec, bv, mval_v[msl])
                mcol_v[msl] = jnp.where(rec, jc, mcol_v[msl])
                return carry

            lax.fori_loop(0, _RPT // 16, rec_group, 0)

            @plsc.parallel_loop(0, _CH, unroll=4, carry=jnp.float32(_NEG))
            def upd(c, m):
                sl = pl.ds(c * 16, 16)
                i_vec = c * 16 + lax.iota(jnp.int32, 16)
                bv = bv_v[sl]
                bc = bc_v[sl]
                jc = jnp.clip(bc, 0, _L - 1)
                bc_j = plsc.load_gather(bc_v, [jc])
                rec = (bv > 0.0) & (bc_j == i_vec)
                free_v[sl] = jnp.where(rec, 0.0, free_v[sl])
                return jnp.maximum(m, jnp.max(bv))

            return upd

        lax.while_loop(round_cond, round_body, jnp.float32(1.0))

        def zero_row(row, carry):
            @plsc.parallel_loop(0, _CH, unroll=8)
            def _zc(c):
                w_v[row, pl.ds(c * 16, 16)] = jnp.zeros((16,), jnp.float32)

            return carry

        lax.fori_loop(0, _RPT, zero_row, 0)

        def out_group(g, carry):
            msl = pl.ds(g * 16, 16)
            mc = mcol_v[msl]
            mv = mval_v[msl]
            rowidx = g * 16 + lax.iota(jnp.int32, 16)
            plsc.store_scatter(
                w_v, [rowidx, jnp.clip(mc, 0, _L - 1)], mv, mask=mc >= 0
            )
            return carry

        lax.fori_loop(0, _RPT // 16, out_group, 0)
        pltpu.sync_copy(w_v, out_hbm.at[pl.ds(base, _RPT)])


_sc_call = functools.partial(
    pl.kernel,
    out_type=jax.ShapeDtypeStruct((_L, _L), jnp.float32),
    mesh=plsc.VectorSubcoreMesh(core_axis_name="c", subcore_axis_name="s"),
    compiler_params=pltpu.CompilerParams(needs_layout_passes=False),
    scratch_types=[
        pltpu.VMEM((_RPT, _L), jnp.float32),
        pltpu.VMEM((16, _L), jnp.float32),
        pltpu.VMEM((4, _L), jnp.float32),
        pltpu.VMEM((_L,), jnp.float32),
        pltpu.VMEM((_L,), jnp.float32),
        pltpu.VMEM((_L,), jnp.float32),
        pltpu.VMEM((_L,), jnp.int32),
        pltpu.VMEM((_RPT,), jnp.float32),
        pltpu.VMEM((_RPT,), jnp.int32),
        pltpu.VMEM_SHARED((_L,), jnp.float32),
        pltpu.VMEM_SHARED((_L,), jnp.int32),
        pltpu.SemaphoreType.DMA,
    ],
)


def kernel(con, feat):
    con2d = con.reshape(_L, _L)
    conT = jnp.swapaxes(con2d, 0, 1)
    seq = feat[0, :4, :, 0]
    out = _sc_call(_sc_body)(con2d, conT, seq)
    return out.reshape(con.shape)

# --- scband reference (transcript-rebuilt; emitter-appended) ---
"""Pipeline reference for scband-post-process-62775241998895 (READ-ONLY COPY).

The authoritative reference and input builder live on the scoring server;
editing this copy changes nothing except your own understanding.
"""

import jax, jax.numpy as jnp
import numpy as np

L_SEQ = 1024


def setup_inputs(seed: int = 0) -> dict:
    key = jax.random.key(seed)
    k1, k2 = jax.random.split(key)
    con = jax.random.normal(k1, (1, L_SEQ, L_SEQ), dtype=jnp.float32)
    feat = jax.random.normal(k2, (1, 17, L_SEQ, L_SEQ), dtype=jnp.float32)
    return {"con": con, "feat": feat}


def _greedy_one_mask(con_masked, L, ground_truth):
    # Faithful translation of the greedy pairing loop (eval branch):
    # iterate over entries sorted by score descending, pair (i, j) if neither
    # index has been used yet; break once num_pairs > ground_truth.
    con_flat = con_masked.reshape(-1)
    idxs = jnp.argsort(-con_flat)
    ii = (idxs % L).astype(jnp.int32)
    jj = (idxs // L).astype(jnp.int32)

    def cond(state):
        pos, memo, one_mask, num = state
        return (pos < L * L) & (num <= ground_truth)

    def body(state):
        pos, memo, one_mask, num = state
        i = ii[pos]
        j = jj[pos]
        skip = memo[i] | memo[j]

        def take(args):
            memo, one_mask, num = args
            one_mask = one_mask.at[i, j].set(True)
            one_mask = one_mask.at[j, i].set(True)
            memo = memo.at[i].set(True)
            memo = memo.at[j].set(True)
            return memo, one_mask, num + 1

        def keep(args):
            return args

        memo, one_mask, num = jax.lax.cond(skip, keep, take, (memo, one_mask, num))
        return (pos + 1, memo, one_mask, num)

    init = (jnp.int32(0), jnp.zeros((L,), dtype=bool), jnp.zeros((L, L), dtype=bool), jnp.int32(0))
    _, _, one_mask, _ = jax.lax.while_loop(cond, body, init)
    return one_mask


def reference(con, feat):
    min_dist = 4
    con_ = jnp.squeeze(con)
    con_ = jnp.triu(con_, k=min_dist + 1)
    L = con_.shape[0]
    seq = jnp.squeeze(feat)[:4, :, 0]
    bases = jnp.array([2.0, 3.0, 5.0, 7.0], dtype=con_.dtype)
    pairs = bases[jnp.argmax(seq, axis=0)]
    pair_mat = jnp.outer(pairs, pairs)
    pair_mask = (pair_mat == 14) | (pair_mat == 15) | (pair_mat == 35)
    con_ = jnp.where(pair_mask, con_, 0.0)
    # eval-mode (not self.training) greedy NMS-style pairing
    ground_truth = L // 2  # min(inf, L // 2)
    one_mask = _greedy_one_mask(con_, L, ground_truth)
    con_ = jnp.where(one_mask, con_, 0.0)
    con_ = con_ + con_.T
    return con_.reshape(con.shape)

if __name__ == "__main__":
    import jax
    _d = setup_inputs()
    print(jax.jit(kernel)(*tuple(_d.values())))

</pallas_src>

<mosaic_0001>
#map = affine_map<(d0, d1) -> (0, 0)>
module attributes {stable_mosaic.version = 14 : i64} {
  func.func @_sc_body(%arg0: i32, %arg1: i32, %arg2: memref<1024x1024xf32, #tpu.memory_space<hbm>>, %arg3: memref<1024x1024xf32, #tpu.memory_space<hbm>>, %arg4: memref<4x1024xf32, #tpu.memory_space<hbm>>, %arg5: memref<1024x1024xf32, #tpu.memory_space<hbm>>, %arg6: memref<64x1024xf32, #tpu.memory_space<vmem>>, %arg7: memref<16x1024xf32, #tpu.memory_space<vmem>>, %arg8: memref<4x1024xf32, #tpu.memory_space<vmem>>, %arg9: memref<1024xf32, #tpu.memory_space<vmem>>, %arg10: memref<1024xf32, #tpu.memory_space<vmem>>, %arg11: memref<1024xf32, #tpu.memory_space<vmem>>, %arg12: memref<1024xi32, #tpu.memory_space<vmem>>, %arg13: memref<64xf32, #tpu.memory_space<vmem>>, %arg14: memref<64xi32, #tpu.memory_space<vmem>>, %arg15: memref<1024xf32, #tpu.memory_space<vmem_shared>>, %arg16: memref<1024xi32, #tpu.memory_space<vmem_shared>>, %arg17: memref<!tpu.dma_semaphore, #tpu.memory_space<semaphore_mem>>) attributes {dimension_semantics = [#tpu.dimension_semantics<core_parallel>, #tpu.dimension_semantics<subcore_parallel>], iteration_bounds = array<i64: 2, 16>, scalar_prefetch = 0 : i64, scratch_operands = 12 : i64, tpu.core_type = #tpu.core_type<sc_vector_subcore>, window_params = [{transform_indices = #map}, {transform_indices = #map}, {transform_indices = #map}, {transform_indices = #map}]} {
    %eq3A = arith.constant 0 : i32
    %eq3A_0 = arith.cmpi eq, %arg0, %eq3A : i32
    %convert_element_type3A = arith.extui %eq3A_0 : i1 to i32
    %cond3A = arith.constant 0 : i32
    %cond3A_1 = arith.cmpi ne, %convert_element_type3A, %cond3A : i32
    scf.if %cond3A_1 {
      %mul3A = arith.constant 64 : i32
      %mul3A_2 = arith.muli %arg1, %mul3A : i32
      %dma_start3A = arith.constant 0 : i32
      %dma_start3A_3 = tpu.memref_slice %arg2[%mul3A_2, %dma_start3A] : memref<1024x1024xf32, #tpu.memory_space<hbm>> -> memref<64x1024xf32, #tpu.memory_space<hbm>>
      %dma_start3A_4 = arith.constant 0 : i32
      %dma_start3A_5 = tpu.memref_slice %arg2[%mul3A_2, %dma_start3A_4] : memref<1024x1024xf32, #tpu.memory_space<hbm>> -> memref<64x1024xf32, #tpu.memory_space<hbm>>
      tpu.enqueue_dma source(%dma_start3A_5 : memref<64x1024xf32, #tpu.memory_space<hbm>>) target(%arg6 : memref<64x1024xf32, #tpu.memory_space<vmem>>) target_semaphore(%arg17 : memref<!tpu.dma_semaphore, #tpu.memory_space<semaphore_mem>>)
      "tpu.region"() ({
        %run_scoped3A = tpu.sem_alloc : memref<!tpu.dma_semaphore, #tpu.memory_space<semaphore_mem>>
        tpu.enqueue_dma source(%arg4 : memref<4x1024xf32, #tpu.memory_space<hbm>>) target(%arg8 : memref<4x1024xf32, #tpu.memory_space<vmem>>) target_semaphore(%run_scoped3A : memref<!tpu.dma_semaphore, #tpu.memory_space<semaphore_mem>>)
        tpu.wait_dma2 semaphore(%run_scoped3A : memref<!tpu.dma_semaphore, #tpu.memory_space<semaphore_mem>>) src(%arg4 : memref<4x1024xf32, #tpu.memory_space<hbm>>) dst(%arg8 : memref<4x1024xf32, #tpu.memory_space<vmem>>)
        tpu.yield
      }) : () -> ()
      %parallel_loop3A = arith.constant 0 : i32
      %parallel_loop3A_6 = arith.constant 64 : i32
      %parallel_loop3A_7 = arith.constant 1 : i32
      scf.for %parallel_loop3A_32 = %parallel_loop3A to %parallel_loop3A_6 step %parallel_loop3A_7  : i32 {
        %parallel_loop3A_33 = arith.constant 16 : i32
        %parallel_loop3A_34 = arith.muli %parallel_loop3A_32, %parallel_loop3A_33 : i32
        %parallel_loop3A_35 = arith.constant 0 : i32
        %parallel_loop3A_36 = arith.index_cast %parallel_loop3A_35 : i32 to index
        %parallel_loop3A_37 = arith.index_cast %parallel_loop3A_34 : i32 to index
        %parallel_loop3A_38 = tpu.vector_load %arg8[%parallel_loop3A_36, %parallel_loop3A_37] {strides = array<i32>} : memref<4x1024xf32, #tpu.memory_space<vmem>>, vector<16xf32>,
        %parallel_loop3A_39 = arith.constant 1 : i32
        %parallel_loop3A_40 = arith.index_cast %parallel_loop3A_39 : i32 to index
        %parallel_loop3A_41 = arith.index_cast %parallel_loop3A_34 : i32 to index
        %parallel_loop3A_42 = tpu.vector_load %arg8[%parallel_loop3A_40, %parallel_loop3A_41] {strides = array<i32>} : memref<4x1024xf32, #tpu.memory_space<vmem>>, vector<16xf32>,
        %parallel_loop3A_43 = arith.constant 2 : i32
        %parallel_loop3A_44 = arith.index_cast %parallel_loop3A_43 : i32 to index
        %parallel_loop3A_45 = arith.index_cast %parallel_loop3A_34 : i32 to index
        %parallel_loop3A_46 = tpu.vector_load %arg8[%parallel_loop3A_44, %parallel_loop3A_45] {strides = array<i32>} : memref<4x1024xf32, #tpu.memory_space<vmem>>, vector<16xf32>,
        %parallel_loop3A_47 = arith.constant 3 : i32
        %parallel_loop3A_48 = arith.index_cast %parallel_loop3A_47 : i32 to index
        %parallel_loop3A_49 = arith.index_cast %parallel_loop3A_34 : i32 to index
        %parallel_loop3A_50 = tpu.vector_load %arg8[%parallel_loop3A_48, %parallel_loop3A_49] {strides = array<i32>} : memref<4x1024xf32, #tpu.memory_space<vmem>>, vector<16xf32>,
        %parallel_loop3A_51 = arith.maximumf %parallel_loop3A_38, %parallel_loop3A_42 : vector<16xf32>
        %parallel_loop3A_52 = arith.maximumf %parallel_loop3A_46, %parallel_loop3A_50 : vector<16xf32>
        %parallel_loop3A_53 = arith.maximumf %parallel_loop3A_51, %parallel_loop3A_52 : vector<16xf32>
        %parallel_loop3A_54 = arith.cmpf oeq, %parallel_loop3A_38, %parallel_loop3A_53 : vector<16xf32>
        %parallel_loop3A_55 = arith.cmpf oeq, %parallel_loop3A_42, %parallel_loop3A_53 : vector<16xf32>
        %parallel_loop3A_56 = arith.cmpf oeq, %parallel_loop3A_46, %parallel_loop3A_53 : vector<16xf32>
        %parallel_loop3A_57 = arith.constant 5.000000e+00 : f32
        %parallel_loop3A_58 = arith.constant 7.000000e+00 : f32
        %parallel_loop3A_59 = vector.broadcast %parallel_loop3A_57 : f32 to vector<16xf32>
        %parallel_loop3A_60 = vector.broadcast %parallel_loop3A_58 : f32 to vector<16xf32>
        %parallel_loop3A_61 = arith.select %parallel_loop3A_56, %parallel_loop3A_59, %parallel_loop3A_60 : vector<16xi1>, vector<16xf32>
        %parallel_loop3A_62 = arith.constant 3.000000e+00 : f32
        %parallel_loop3A_63 = vector.broadcast %parallel_loop3A_62 : f32 to vector<16xf32>
        %parallel_loop3A_64 = arith.select %parallel_loop3A_55, %parallel_loop3A_63, %parallel_loop3A_61 : vector<16xi1>, vector<16xf32>
        %parallel_loop3A_65 = arith.constant 2.000000e+00 : f32
        %parallel_loop3A_66 = vector.broadcast %parallel_loop3A_65 : f32 to vector<16xf32>
        %parallel_loop3A_67 = arith.select %parallel_loop3A_54, %parallel_loop3A_66, %parallel_loop3A_64 : vector<16xi1>, vector<16xf32>
        %parallel_loop3A_68 = arith.index_cast %parallel_loop3A_34 : i32 to index
        %parallel_loop3A_69 = tpu.vector_load %arg9[%parallel_loop3A_68] {strides = array<i32>} : memref<1024xf32, #tpu.memory_space<vmem>>, vector<16xf32>,
        tpu.vector_store %arg9[%parallel_loop3A_68], %parallel_loop3A_67 {strides = array<i32>} : memref<1024xf32, #tpu.memory_space<vmem>>, vector<16xf32>,
        %parallel_loop3A_70 = arith.constant 1.000000e+00 : f32
        %parallel_loop3A_71 = vector.broadcast %parallel_loop3A_70 : f32 to vector<16xf32>
        %parallel_loop3A_72 = arith.index_cast %parallel_loop3A_34 : i32 to index
        %parallel_loop3A_73 = tpu.vector_load %arg10[%parallel_loop3A_72] {strides = array<i32>} : memref<1024xf32, #tpu.memory_space<vmem>>, vector<16xf32>,
        tpu.vector_store %arg10[%parallel_loop3A_72], %parallel_loop3A_71 {strides = array<i32>} : memref<1024xf32, #tpu.memory_space<vmem>>, vector<16xf32>,
      } {sc.loop_unroll_factor = 8 : i64, sc.parallel_access}
      %parallel_loop3A_8 = arith.constant 0 : i32
      %parallel_loop3A_9 = arith.constant 4 : i32
      %parallel_loop3A_10 = arith.constant 1 : i32
      scf.for %parallel_loop3A_32 = %parallel_loop3A_8 to %parallel_loop3A_9 step %parallel_loop3A_10  : i32 {
        %parallel_loop3A_33 = arith.constant 16 : i32
        %parallel_loop3A_34 = arith.muli %parallel_loop3A_32, %parallel_loop3A_33 : i32
        %parallel_loop3A_35 = arith.constant 0.000000e+00 : f32
        %parallel_loop3A_36 = vector.broadcast %parallel_loop3A_35 : f32 to vector<16xf32>
        %parallel_loop3A_37 = arith.index_cast %parallel_loop3A_34 : i32 to index
        %parallel_loop3A_38 = tpu.vector_load %arg13[%parallel_loop3A_37] {strides = array<i32>} : memref<64xf32, #tpu.memory_space<vmem>>, vector<16xf32>,
        tpu.vector_store %arg13[%parallel_loop3A_37], %parallel_loop3A_36 {strides = array<i32>} : memref<64xf32, #tpu.memory_space<vmem>>, vector<16xf32>,
        %parallel_loop3A_39 = arith.constant -1 : i32
        %parallel_loop3A_40 = vector.broadcast %parallel_loop3A_39 : i32 to vector<16xi32>
        %parallel_loop3A_41 = arith.index_cast %parallel_loop3A_34 : i32 to index
        %parallel_loop3A_42 = tpu.vector_load %arg14[%parallel_loop3A_41] {strides = array<i32>} : memref<64xi32, #tpu.memory_space<vmem>>, vector<16xi32>,
        tpu.vector_store %arg14[%parallel_loop3A_41], %parallel_loop3A_40 {strides = array<i32>} : memref<64xi32, #tpu.memory_space<vmem>>, vector<16xi32>,
      } {sc.loop_unroll_factor = 1 : i64, sc.parallel_access}
      %dma_wait3A = arith.constant 0 : i32
      %dma_wait3A_11 = tpu.memref_slice %arg2[%mul3A_2, %dma_wait3A] : memref<1024x1024xf32, #tpu.memory_space<hbm>> -> memref<64x1024xf32, #tpu.memory_space<hbm>>
      %dma_wait3A_12 = arith.constant 0 : i32
      %dma_wait3A_13 = tpu.memref_slice %arg2[%mul3A_2, %dma_wait3A_12] : memref<1024x1024xf32, #tpu.memory_space<hbm>> -> memref<64x1024xf32, #tpu.memory_space<hbm>>
      tpu.wait_dma2 semaphore(%arg17 : memref<!tpu.dma_semaphore, #tpu.memory_space<semaphore_mem>>) src(%dma_wait3A_13 : memref<64x1024xf32, #tpu.memory_space<hbm>>) dst(%arg6 : memref<64x1024xf32, #tpu.memory_space<vmem>>)
      %scan3A = arith.constant 0 : i32
      %scan3A_14 = arith.constant 0 : i32
      %scan3A_15 = arith.constant 4 : i32
      %scan3A_16 = arith.addi %scan3A_14, %scan3A_15 : i32
      %scan3A_17 = arith.constant 1 : i32
      scf.for %scan3A_32 = %scan3A_14 to %scan3A_16 step %scan3A_17  : i32 {
        %mul3A_33 = arith.constant 16 : i32
        %mul3A_34 = arith.muli %scan3A_32, %mul3A_33 : i32
        %add3A = arith.addi %mul3A_2, %mul3A_34 : i32
        "tpu.region"() ({
          %run_scoped3A = tpu.sem_alloc : memref<!tpu.dma_semaphore, #tpu.memory_space<semaphore_mem>>
          %dma_start3A_41 = arith.constant 0 : i32
          %dma_start3A_42 = tpu.memref_slice %arg3[%add3A, %dma_start3A_41] : memref<1024x1024xf32, #tpu.memory_space<hbm>> -> memref<16x1024xf32, #tpu.memory_space<hbm>>
          %dma_start3A_43 = arith.constant 0 : i32
          %dma_start3A_44 = tpu.memref_slice %arg3[%add3A, %dma_start3A_43] : memref<1024x1024xf32, #tpu.memory_space<hbm>> -> memref<16x1024xf32, #tpu.memory_space<hbm>>
          tpu.enqueue_dma source(%dma_start3A_44 : memref<16x1024xf32, #tpu.memory_space<hbm>>) target(%arg7 : memref<16x1024xf32, #tpu.memory_space<vmem>>) target_semaphore(%run_scoped3A : memref<!tpu.dma_semaphore, #tpu.memory_space<semaphore_mem>>)
          %dma_wait3A_45 = arith.constant 0 : i32
          %dma_wait3A_46 = tpu.memref_slice %arg3[%add3A, %dma_wait3A_45] : memref<1024x1024xf32, #tpu.memory_space<hbm>> -> memref<16x1024xf32, #tpu.memory_space<hbm>>
          %dma_wait3A_47 = arith.constant 0 : i32
          %dma_wait3A_48 = tpu.memref_slice %arg3[%add3A, %dma_wait3A_47] : memref<1024x1024xf32, #tpu.memory_space<hbm>> -> memref<16x1024xf32, #tpu.memory_space<hbm>>
          tpu.wait_dma2 semaphore(%run_scoped3A : memref<!tpu.dma_semaphore, #tpu.memory_space<semaphore_mem>>) src(%dma_wait3A_48 : memref<16x1024xf32, #tpu.memory_space<hbm>>) dst(%arg7 : memref<16x1024xf32, #tpu.memory_space<vmem>>)
          tpu.yield
        }) : () -> ()
        %scan3A_35 = arith.constant 0 : i32
        %scan3A_36 = arith.constant 0 : i32
        %scan3A_37 = arith.constant 16 : i32
        %scan3A_38 = arith.addi %scan3A_36, %scan3A_37 : i32
        %scan3A_39 = arith.constant 1 : i32
        scf.for %scan3A_41 = %scan3A_36 to %scan3A_38 step %scan3A_39  : i32 {
          %mul3A_42 = arith.constant 16 : i32
          %mul3A_43 = arith.muli %scan3A_32, %mul3A_42 : i32
          %add3A_44 = arith.addi %mul3A_43, %scan3A_41 : i32
          %add3A_45 = arith.addi %mul3A_2, %add3A_44 : i32
          %broadcast_in_dim3A = vector.broadcast %add3A_45 : i32 to vector<16xi32>
          %gather3A = tpu.vector_load_idx %arg9[%broadcast_in_dim3A] : memref<1024xf32, #tpu.memory_space<vmem>>[vector<16xi32>], vector<16xf32>,
          %parallel_loop3A_46 = arith.constant 0 : i32
          %parallel_loop3A_47 = arith.constant 64 : i32
          %parallel_loop3A_48 = arith.constant 1 : i32
          scf.for %parallel_loop3A_49 = %parallel_loop3A_46 to %parallel_loop3A_47 step %parallel_loop3A_48  : i32 {
            %parallel_loop3A_50 = arith.constant 16 : i32
            %parallel_loop3A_51 = arith.muli %parallel_loop3A_49, %parallel_loop3A_50 : i32
            %parallel_loop3A_52 = arith.constant 16 : i32
            %parallel_loop3A_53 = arith.muli %parallel_loop3A_49, %parallel_loop3A_52 : i32
            %parallel_loop3A_54 = tpu.iota {dimensions = array<i32: 0>} : vector<16xi32>
            %parallel_loop3A_55 = vector.broadcast %parallel_loop3A_53 : i32 to vector<16xi32>
            %parallel_loop3A_56 = arith.addi %parallel_loop3A_55, %parallel_loop3A_54 : vector<16xi32>
            %parallel_loop3A_57 = vector.broadcast %add3A_45 : i32 to vector<16xi32>
            %parallel_loop3A_58 = arith.subi %parallel_loop3A_56, %parallel_loop3A_57 : vector<16xi32>
            %parallel_loop3A_59 = arith.constant 5 : i32
            %parallel_loop3A_60 = vector.broadcast %parallel_loop3A_59 : i32 to vector<16xi32>
            %parallel_loop3A_61 = arith.cmpi sge, %parallel_loop3A_58, %parallel_loop3A_60 : vector<16xi32>
            %parallel_loop3A_62 = arith.index_cast %add3A_44 : i32 to index
            %parallel_loop3A_63 = arith.index_cast %parallel_loop3A_51 : i32 to index
            %parallel_loop3A_64 = tpu.vector_load %arg6[%parallel_loop3A_62, %parallel_loop3A_63] {strides = array<i32>} : memref<64x1024xf32, #tpu.memory_space<vmem>>, vector<16xf32>,
            %parallel_loop3A_65 = arith.index_cast %scan3A_41 : i32 to index
            %parallel_loop3A_66 = arith.index_cast %parallel_loop3A_51 : i32 to index
            %parallel_loop3A_67 = tpu.vector_load %arg7[%parallel_loop3A_65, %parallel_loop3A_66] {strides = array<i32>} : memref<16x1024xf32, #tpu.memory_space<vmem>>, vector<16xf32>,
            %parallel_loop3A_68 = arith.select %parallel_loop3A_61, %parallel_loop3A_64, %parallel_loop3A_67 : vector<16xi1>, vector<16xf32>
            %parallel_loop3A_69 = vector.broadcast %add3A_45 : i32 to vector<16xi32>
            %parallel_loop3A_70 = arith.subi %parallel_loop3A_56, %parallel_loop3A_69 : vector<16xi32>
            %parallel_loop3A_71 = math.absi %parallel_loop3A_70 : vector<16xi32>
            %parallel_loop3A_72 = arith.constant 5 : i32
            %parallel_loop3A_73 = vector.broadcast %parallel_loop3A_72 : i32 to vector<16xi32>
            %parallel_loop3A_74 = arith.cmpi sge, %parallel_loop3A_71, %parallel_loop3A_73 : vector<16xi32>
            %parallel_loop3A_75 = arith.index_cast %parallel_loop3A_51 : i32 to index
            %parallel_loop3A_76 = tpu.vector_load %arg9[%parallel_loop3A_75] {strides = array<i32>} : memref<1024xf32, #tpu.memory_space<vmem>>, vector<16xf32>,
            %parallel_loop3A_77 = arith.mulf %gather3A, %parallel_loop3A_76 : vector<16xf32>
            %parallel_loop3A_78 = arith.constant 1.400000e+01 : f32
            %parallel_loop3A_79 = vector.broadcast %parallel_loop3A_78 : f32 to vector<16xf32>
            %parallel_loop3A_80 = arith.cmpf oeq, %parallel_loop3A_77, %parallel_loop3A_79 : vector<16xf32>
            %parallel_loop3A_81 = arith.constant 1.500000e+01 : f32
            %parallel_loop3A_82 = vector.broadcast %parallel_loop3A_81 : f32 to vector<16xf32>
            %parallel_loop3A_83 = arith.cmpf oeq, %parallel_loop3A_77, %parallel_loop3A_82 : vector<16xf32>
            %parallel_loop3A_84 = arith.ori %parallel_loop3A_80, %parallel_loop3A_83 : vector<16xi1>
            %parallel_loop3A_85 = arith.constant 3.500000e+01 : f32
            %parallel_loop3A_86 = vector.broadcast %parallel_loop3A_85 : f32 to vector<16xf32>
            %parallel_loop3A_87 = arith.cmpf oeq, %parallel_loop3A_77, %parallel_loop3A_86 : vector<16xf32>
            %parallel_loop3A_88 = arith.ori %parallel_loop3A_84, %parallel_loop3A_87 : vector<16xi1>
            %parallel_loop3A_89 = arith.andi %parallel_loop3A_74, %parallel_loop3A_88 : vector<16xi1>
            %parallel_loop3A_90 = arith.constant 0.000000e+00 : f32
            %parallel_loop3A_91 = vector.broadcast %parallel_loop3A_90 : f32 to vector<16xf32>
            %parallel_loop3A_92 = arith.select %parallel_loop3A_89, %parallel_loop3A_68, %parallel_loop3A_91 : vector<16xi1>, vector<16xf32>
            %parallel_loop3A_93 = arith.index_cast %add3A_44 : i32 to index
            %parallel_loop3A_94 = arith.index_cast %parallel_loop3A_51 : i32 to index
            %parallel_loop3A_95 = tpu.vector_load %arg6[%parallel_loop3A_93, %parallel_loop3A_94] {strides = array<i32>} : memref<64x1024xf32, #tpu.memory_space<vmem>>, vector<16xf32>,
            tpu.vector_store %arg6[%parallel_loop3A_93, %parallel_loop3A_94], %parallel_loop3A_92 {strides = array<i32>} : memref<64x1024xf32, #tpu.memory_space<vmem>>, vector<16xf32>,
          } {sc.loop_unroll_factor = 8 : i64, sc.parallel_access}
        }
        %scan3A_40 = arith.constant 16 : i32
      }
      %scan3A_18 = arith.constant 4 : i32
      %while3A = arith.constant 1.000000e+00 : f32
      %while3A_19 = scf.while (%while3A_32 = %while3A) : (f32) -> f32 {
        %gt3A = arith.constant 0.000000e+00 : f32
        %gt3A_33 = arith.cmpf ogt, %while3A_32, %gt3A : f32
        scf.condition(%gt3A_33) %while3A_32 : f32
      } do {
      ^bb0(%while3A_32: f32):
        %scan3A_33 = arith.constant 0 : i32
        %scan3A_34 = arith.constant 0 : i32
        %scan3A_35 = arith.constant 4 : i32
        %scan3A_36 = arith.addi %scan3A_34, %scan3A_35 : i32
        %scan3A_37 = arith.constant 1 : i32
        scf.for %scan3A_66 = %scan3A_34 to %scan3A_36 step %scan3A_37  : i32 {
          %broadcast_in_dim3A = arith.constant -1.000000e+30 : f32
          %broadcast_in_dim3A_67 = vector.broadcast %broadcast_in_dim3A : f32 to vector<16xf32>
          %broadcast_in_dim3A_68 = arith.constant -1 : i32
          %broadcast_in_dim3A_69 = vector.broadcast %broadcast_in_dim3A_68 : i32 to vector<16xi32>
          %scan3A_70 = arith.constant 0 : i32
          %scan3A_71 = arith.constant 16 : i32
          %scan3A_72 = arith.addi %scan3A_70, %scan3A_71 : i32
          %scan3A_73 = arith.constant 1 : i32
          %scan3A_74:2 = scf.for %scan3A_81 = %scan3A_70 to %scan3A_72 step %scan3A_73 iter_args(%scan3A_82 = %broadcast_in_dim3A_67, %scan3A_83 = %broadcast_in_dim3A_69) -> (vector<16xf32>, vector<16xi32>)  : i32 {
            %mul3A_84 = arith.constant 16 : i32
            %mul3A_85 = arith.muli %scan3A_66, %mul3A_84 : i32
            %add3A_86 = arith.addi %mul3A_85, %scan3A_81 : i32
            %add3A_87 = arith.addi %mul3A_2, %add3A_86 : i32
            %broadcast_in_dim3A_88 = vector.broadcast %add3A_87 : i32 to vector<16xi32>
            %gather3A = tpu.vector_load_idx %arg10[%broadcast_in_dim3A_88] : memref<1024xf32, #tpu.memory_space<vmem>>[vector<16xi32>], vector<16xf32>,
            %reduce_max3A = arith.constant true
            %reduce_max3A_89 = vector.broadcast %reduce_max3A : i1 to vector<16xi1>
            %reduce_max3A_90 = tpu.scan <max>, %gather3A masked %reduce_max3A_89 : vector<16xf32>, vector<16xi1> -> vector<16xf32>
            %reduce_max3A_91 = vector.extract %reduce_max3A_90[15] : f32 from vector<16xf32>
            %gt3A = arith.constant 0.000000e+00 : f32
            %gt3A_92 = arith.cmpf ogt, %reduce_max3A_91, %gt3A : f32
            %convert_element_type3A_93 = arith.extui %gt3A_92 : i1 to i32
            %cond3A_94 = arith.constant 0 : i32
            %cond3A_95 = arith.cmpi ne, %convert_element_type3A_93, %cond3A_94 : i32
            %cond3A_96:2 = scf.if %cond3A_95 -> (f32, i32) {
              %broadcast_in_dim3A_102 = arith.constant -1.000000e+30 : f32
              %broadcast_in_dim3A_103 = vector.broadcast %broadcast_in_dim3A_102 : f32 to vector<16xf32>
              %broadcast_in_dim3A_104 = arith.constant 1024 : i32
              %broadcast_in_dim3A_105 = vector.broadcast %broadcast_in_dim3A_104 : i32 to vector<16xi32>
              %parallel_loop3A_106 = arith.constant 0 : i32
              %parallel_loop3A_107 = arith.constant 64 : i32
              %parallel_loop3A_108 = arith.constant 1 : i32
              %parallel_loop3A_109:2 = scf.for %parallel_loop3A_125 = %parallel_loop3A_106 to %parallel_loop3A_107 step %parallel_loop3A_108 iter_args(%parallel_loop3A_126 = %broadcast_in_dim3A_103, %parallel_loop3A_127 = %broadcast_in_dim3A_105) -> (vector<16xf32>, vector<16xi32>)  : i32 {
                %parallel_loop3A_128 = arith.constant 16 : i32
                %parallel_loop3A_129 = arith.muli %parallel_loop3A_125, %parallel_loop3A_128 : i32
                %parallel_loop3A_130 = arith.constant 16 : i32
                %parallel_loop3A_131 = arith.muli %parallel_loop3A_125, %parallel_loop3A_130 : i32
                %parallel_loop3A_132 = tpu.iota {dimensions = array<i32: 0>} : vector<16xi32>
                %parallel_loop3A_133 = vector.broadcast %parallel_loop3A_131 : i32 to vector<16xi32>
                %parallel_loop3A_134 = arith.addi %parallel_loop3A_133, %parallel_loop3A_132 : vector<16xi32>
                %parallel_loop3A_135 = arith.index_cast %parallel_loop3A_129 : i32 to index
                %parallel_loop3A_136 = tpu.vector_load %arg10[%parallel_loop3A_135] {strides = array<i32>} : memref<1024xf32, #tpu.memory_space<vmem>>, vector<16xf32>,
                %parallel_loop3A_137 = arith.constant 0.000000e+00 : f32
                %parallel_loop3A_138 = vector.broadcast %parallel_loop3A_137 : f32 to vector<16xf32>
                %parallel_loop3A_139 = arith.cmpf ogt, %parallel_loop3A_136, %parallel_loop3A_138 : vector<16xf32>
                %parallel_loop3A_140 = arith.index_cast %add3A_86 : i32 to index
                %parallel_loop3A_141 = arith.index_cast %parallel_loop3A_129 : i32 to index
                %parallel_loop3A_142 = tpu.vector_load %arg6[%parallel_loop3A_140, %parallel_loop3A_141] {strides = array<i32>} : memref<64x1024xf32, #tpu.memory_space<vmem>>, vector<16xf32>,
                %parallel_loop3A_143 = arith.constant -1.000000e+30 : f32
                %parallel_loop3A_144 = vector.broadcast %parallel_loop3A_143 : f32 to vector<16xf32>
                %parallel_loop3A_145 = arith.select %parallel_loop3A_139, %parallel_loop3A_142, %parallel_loop3A_144 : vector<16xi1>, vector<16xf32>
                %parallel_loop3A_146 = arith.cmpf ogt, %parallel_loop3A_145, %parallel_loop3A_126 : vector<16xf32>
                %parallel_loop3A_147 = arith.maximumf %parallel_loop3A_145, %parallel_loop3A_126 : vector<16xf32>
                %parallel_loop3A_148 = arith.select %parallel_loop3A_146, %parallel_loop3A_134, %parallel_loop3A_127 : vector<16xi1>, vector<16xi32>
                scf.yield %parallel_loop3A_147, %parallel_loop3A_148 : vector<16xf32>, vector<16xi32>
              } {sc.loop_unroll_factor = 8 : i64, sc.parallel_access}
              %reduce_max3A_110 = arith.constant true
              %reduce_max3A_111 = vector.broadcast %reduce_max3A_110 : i1 to vector<16xi1>
              %reduce_max3A_112 = tpu.scan <max>, %parallel_loop3A_109#0 masked %reduce_max3A_111 : vector<16xf32>, vector<16xi1> -> vector<16xf32>
              %reduce_max3A_113 = vector.extract %reduce_max3A_112[15] : f32 from vector<16xf32>
              %eq3A_114 = vector.broadcast %reduce_max3A_113 : f32 to vector<16xf32>
              %eq3A_115 = arith.cmpf oeq, %parallel_loop3A_109#0, %eq3A_114 : vector<16xf32>
              %jit3A = arith.constant 1024 : i32
              %broadcast_in_dim3A_116 = vector.broadcast %jit3A : i32 to vector<16xi32>
              %select_n3A_117 = arith.select %eq3A_115, %parallel_loop3A_109#1, %broadcast_in_dim3A_116 : vector<16xi1>, vector<16xi32>
              %reduce_min3A = arith.constant true
              %reduce_min3A_118 = vector.broadcast %reduce_min3A : i1 to vector<16xi1>
              %reduce_min3A_119 = arith.constant -2147483648 : i32
              %reduce_min3A_120 = vector.broadcast %reduce_min3A_119 : i32 to vector<16xi32>
              %reduce_min3A_121 = arith.xori %select_n3A_117, %reduce_min3A_120 : vector<16xi32>
              %reduce_min3A_122 = tpu.scan <min>, %reduce_min3A_121 masked %reduce_min3A_118 : vector<16xi32>, vector<16xi1> -> vector<16xi32>
              %reduce_min3A_123 = arith.xori %reduce_min3A_122, %reduce_min3A_120 : vector<16xi32>
              %reduce_min3A_124 = vector.extract %reduce_min3A_123[15] : i32 from vector<16xi32>
              scf.yield %reduce_max3A_113, %reduce_min3A_124 : f32, i32
            } else {
              %cond3A_102 = arith.constant -1.000000e+30 : f32
              %cond3A_103 = arith.constant -1 : i32
              scf.yield %cond3A_102, %cond3A_103 : f32, i32
            }
            %iota3A = tpu.iota {dimensions = array<i32: 0>} : vector<16xi32>
            %eq3A_97 = vector.broadcast %scan3A_81 : i32 to vector<16xi32>
            %eq3A_98 = arith.cmpi eq, %iota3A, %eq3A_97 : vector<16xi32>
            %broadcast_in_dim3A_99 = vector.broadcast %cond3A_96#0 : f32 to vector<16xf32>
            %select_n3A = arith.select %eq3A_98, %broadcast_in_dim3A_99, %scan3A_82 : vector<16xi1>, vector<16xf32>
            %broadcast_in_dim3A_100 = vector.broadcast %cond3A_96#1 : i32 to vector<16xi32>
            %select_n3A_101 = arith.select %eq3A_98, %broadcast_in_dim3A_100, %scan3A_83 : vector<16xi1>, vector<16xi32>
            scf.yield %select_n3A, %select_n3A_101 : vector<16xf32>, vector<16xi32>
          }
          %scan3A_75 = arith.constant 16 : i32
          %mul3A_76 = arith.constant 16 : i32
          %mul3A_77 = arith.muli %scan3A_66, %mul3A_76 : i32
          %add3A = arith.addi %mul3A_2, %mul3A_77 : i32
          %swap3A = arith.index_cast %add3A : i32 to index
          %swap3A_78 = tpu.vector_load %arg11[%swap3A] {strides = array<i32>} : memref<1024xf32, #tpu.memory_space<vmem>>, vector<16xf32>,
          tpu.vector_store %arg11[%swap3A], %scan3A_74#0 {strides = array<i32>} : memref<1024xf32, #tpu.memory_space<vmem>>, vector<16xf32>,
          %swap3A_79 = arith.index_cast %add3A : i32 to index
          %swap3A_80 = tpu.vector_load %arg12[%swap3A_79] {strides = array<i32>} : memref<1024xi32, #tpu.memory_space<vmem>>, vector<16xi32>,
          tpu.vector_store %arg12[%swap3A_79], %scan3A_74#1 {strides = array<i32>} : memref<1024xi32, #tpu.memory_space<vmem>>, vector<16xi32>,
        }
        %scan3A_38 = arith.constant 4 : i32
        %dma_start3A_39 = tpu.memref_slice %arg11[%mul3A_2] : memref<1024xf32, #tpu.memory_space<vmem>> -> memref<64xf32, #tpu.memory_space<vmem>>
        %dma_start3A_40 = tpu.memref_slice %arg15[%mul3A_2] : memref<1024xf32, #tpu.memory_space<vmem_shared>> -> memref<64xf32, #tpu.memory_space<vmem_shared>>
        %dma_start3A_41 = tpu.memref_slice %arg15[%mul3A_2] : memref<1024xf32, #tpu.memory_space<vmem_shared>> -> memref<64xf32, #tpu.memory_space<vmem_shared>>
        %dma_start3A_42 = tpu.memref_slice %arg11[%mul3A_2] : memref<1024xf32, #tpu.memory_space<vmem>> -> memref<64xf32, #tpu.memory_space<vmem>>
        tpu.enqueue_dma source(%dma_start3A_42 : memref<64xf32, #tpu.memory_space<vmem>>) target(%dma_start3A_41 : memref<64xf32, #tpu.memory_space<vmem_shared>>) target_semaphore(%arg17 : memref<!tpu.dma_semaphore, #tpu.memory_space<semaphore_mem>>)
        %dma_start3A_43 = tpu.memref_slice %arg12[%mul3A_2] : memref<1024xi32, #tpu.memory_space<vmem>> -> memref<64xi32, #tpu.memory_space<vmem>>
        %dma_start3A_44 = tpu.memref_slice %arg16[%mul3A_2] : memref<1024xi32, #tpu.memory_space<vmem_shared>> -> memref<64xi32, #tpu.memory_space<vmem_shared>>
        %dma_start3A_45 = tpu.memref_slice %arg16[%mul3A_2] : memref<1024xi32, #tpu.memory_space<vmem_shared>> -> memref<64xi32, #tpu.memory_space<vmem_shared>>
        %dma_start3A_46 = tpu.memref_slice %arg12[%mul3A_2] : memref<1024xi32, #tpu.memory_space<vmem>> -> memref<64xi32, #tpu.memory_space<vmem>>
        tpu.enqueue_dma source(%dma_start3A_46 : memref<64xi32, #tpu.memory_space<vmem>>) target(%dma_start3A_45 : memref<64xi32, #tpu.memory_space<vmem_shared>>) target_semaphore(%arg17 : memref<!tpu.dma_semaphore, #tpu.memory_space<semaphore_mem>>)
        %dma_wait3A_47 = tpu.memref_slice %arg11[%mul3A_2] : memref<1024xf32, #tpu.memory_space<vmem>> -> memref<64xf32, #tpu.memory_space<vmem>>
        %dma_wait3A_48 = tpu.memref_slice %arg15[%mul3A_2] : memref<1024xf32, #tpu.memory_space<vmem_shared>> -> memref<64xf32, #tpu.memory_space<vmem_shared>>
        %dma_wait3A_49 = tpu.memref_slice %arg15[%mul3A_2] : memref<1024xf32, #tpu.memory_space<vmem_shared>> -> memref<64xf32, #tpu.memory_space<vmem_shared>>
        %dma_wait3A_50 = tpu.memref_slice %arg11[%mul3A_2] : memref<1024xf32, #tpu.memory_space<vmem>> -> memref<64xf32, #tpu.memory_space<vmem>>
        tpu.wait_dma2 semaphore(%arg17 : memref<!tpu.dma_semaphore, #tpu.memory_space<semaphore_mem>>) src(%dma_wait3A_50 : memref<64xf32, #tpu.memory_space<vmem>>) dst(%dma_wait3A_49 : memref<64xf32, #tpu.memory_space<vmem_shared>>)
        %dma_wait3A_51 = tpu.memref_slice %arg12[%mul3A_2] : memref<1024xi32, #tpu.memory_space<vmem>> -> memref<64xi32, #tpu.memory_space<vmem>>
        %dma_wait3A_52 = tpu.memref_slice %arg16[%mul3A_2] : memref<1024xi32, #tpu.memory_space<vmem_shared>> -> memref<64xi32, #tpu.memory_space<vmem_shared>>
        %dma_wait3A_53 = tpu.memref_slice %arg16[%mul3A_2] : memref<1024xi32, #tpu.memory_space<vmem_shared>> -> memref<64xi32, #tpu.memory_space<vmem_shared>>
        %dma_wait3A_54 = tpu.memref_slice %arg12[%mul3A_2] : memref<1024xi32, #tpu.memory_space<vmem>> -> memref<64xi32, #tpu.memory_space<vmem>>
        tpu.wait_dma2 semaphore(%arg17 : memref<!tpu.dma_semaphore, #tpu.memory_space<semaphore_mem>>) src(%dma_wait3A_54 : memref<64xi32, #tpu.memory_space<vmem>>) dst(%dma_wait3A_53 : memref<64xi32, #tpu.memory_space<vmem_shared>>)
        %barrier3A = arith.constant 0 : index
        tpu.barrier barrier_id(%barrier3A)
        tpu.enqueue_dma source(%arg15 : memref<1024xf32, #tpu.memory_space<vmem_shared>>) target(%arg11 : memref<1024xf32, #tpu.memory_space<vmem>>) target_semaphore(%arg17 : memref<!tpu.dma_semaphore, #tpu.memory_space<semaphore_mem>>)
        tpu.enqueue_dma source(%arg16 : memref<1024xi32, #tpu.memory_space<vmem_shared>>) target(%arg12 : memref<1024xi32, #tpu.memory_space<vmem>>) target_semaphore(%arg17 : memref<!tpu.dma_semaphore, #tpu.memory_space<semaphore_mem>>)
        tpu.wait_dma2 semaphore(%arg17 : memref<!tpu.dma_semaphore, #tpu.memory_space<semaphore_mem>>) src(%arg15 : memref<1024xf32, #tpu.memory_space<vmem_shared>>) dst(%arg11 : memref<1024xf32, #tpu.memory_space<vmem>>)
        tpu.wait_dma2 semaphore(%arg17 : memref<!tpu.dma_semaphore, #tpu.memory_space<semaphore_mem>>) src(%arg16 : memref<1024xi32, #tpu.memory_space<vmem_shared>>) dst(%arg12 : memref<1024xi32, #tpu.memory_space<vmem>>)
        %scan3A_55 = arith.constant 0 : i32
        %scan3A_56 = arith.constant 0 : i32
        %scan3A_57 = arith.constant 4 : i32
        %scan3A_58 = arith.addi %scan3A_56, %scan3A_57 : i32
        %scan3A_59 = arith.constant 1 : i32
        scf.for %scan3A_66 = %scan3A_56 to %scan3A_58 step %scan3A_59  : i32 {
          %mul3A_67 = arith.constant 16 : i32
          %mul3A_68 = arith.muli %scan3A_66, %mul3A_67 : i32
          %add3A = arith.addi %mul3A_2, %mul3A_68 : i32
          %mul3A_69 = arith.constant 16 : i32
          %mul3A_70 = arith.muli %scan3A_66, %mul3A_69 : i32
          %add3A_71 = arith.addi %mul3A_2, %mul3A_70 : i32
          %iota3A = tpu.iota {dimensions = array<i32: 0>} : vector<16xi32>
          %add3A_72 = vector.broadcast %add3A_71 : i32 to vector<16xi32>
          %add3A_73 = arith.addi %add3A_72, %iota3A : vector<16xi32>
          %get3A = arith.index_cast %add3A : i32 to index
          %get3A_74 = tpu.vector_load %arg11[%get3A] {strides = array<i32>} : memref<1024xf32, #tpu.memory_space<vmem>>, vector<16xf32>,
          %get3A_75 = arith.index_cast %add3A : i32 to index
          %get3A_76 = tpu.vector_load %arg12[%get3A_75] {strides = array<i32>} : memref<1024xi32, #tpu.memory_space<vmem>>, vector<16xi32>,
          %jit3A = arith.constant 0 : i32
          %jit3A_77 = arith.constant 1023 : i32
          %max3A = vector.broadcast %jit3A : i32 to vector<16xi32>
          %max3A_78 = arith.maxsi %max3A, %get3A_76 : vector<16xi32>
          %min3A = vector.broadcast %jit3A_77 : i32 to vector<16xi32>
          %min3A_79 = arith.minsi %min3A, %max3A_78 : vector<16xi32>
          %gather3A = tpu.vector_load_idx %arg12[%min3A_79] : memref<1024xi32, #tpu.memory_space<vmem>>[vector<16xi32>], vector<16xi32>,
          %gt3A = arith.constant 0.000000e+00 : f32
          %gt3A_80 = vector.broadcast %gt3A : f32 to vector<16xf32>
          %gt3A_81 = arith.cmpf ogt, %get3A_74, %gt3A_80 : vector<16xf32>
          %eq3A_82 = arith.cmpi eq, %gather3A, %add3A_73 : vector<16xi32>
          %and3A = arith.andi %gt3A_81, %eq3A_82 : vector<16xi1>
          %mul3A_83 = arith.constant 16 : i32
          %mul3A_84 = arith.muli %scan3A_66, %mul3A_83 : i32
          %get3A_85 = arith.index_cast %mul3A_84 : i32 to index
          %get3A_86 = tpu.vector_load %arg13[%get3A_85] {strides = array<i32>} : memref<64xf32, #tpu.memory_space<vmem>>, vector<16xf32>,
          %select_n3A = arith.select %and3A, %get3A_74, %get3A_86 : vector<16xi1>, vector<16xf32>
          %swap3A = arith.index_cast %mul3A_84 : i32 to index
          %swap3A_87 = tpu.vector_load %arg13[%swap3A] {strides = array<i32>} : memref<64xf32, #tpu.memory_space<vmem>>, vector<16xf32>,
          tpu.vector_store %arg13[%swap3A], %select_n3A {strides = array<i32>} : memref<64xf32, #tpu.memory_space<vmem>>, vector<16xf32>,
          %get3A_88 = arith.index_cast %mul3A_84 : i32 to index
          %get3A_89 = tpu.vector_load %arg14[%get3A_88] {strides = array<i32>} : memref<64xi32, #tpu.memory_space<vmem>>, vector<16xi32>,
          %select_n3A_90 = arith.select %and3A, %min3A_79, %get3A_89 : vector<16xi1>, vector<16xi32>
          %swap3A_91 = arith.index_cast %mul3A_84 : i32 to index
          %swap3A_92 = tpu.vector_load %arg14[%swap3A_91] {strides = array<i32>} : memref<64xi32, #tpu.memory_space<vmem>>, vector<16xi32>,
          tpu.vector_store %arg14[%swap3A_91], %select_n3A_90 {strides = array<i32>} : memref<64xi32, #tpu.memory_space<vmem>>, vector<16xi32>,
        }
        %scan3A_60 = arith.constant 4 : i32
        %parallel_loop3A_61 = arith.constant 0 : i32
        %parallel_loop3A_62 = arith.constant 64 : i32
        %parallel_loop3A_63 = arith.constant 1 : i32
        %parallel_loop3A_64 = arith.constant -1.000000e+30 : f32
        %parallel_loop3A_65 = scf.for %parallel_loop3A_66 = %parallel_loop3A_61 to %parallel_loop3A_62 step %parallel_loop3A_63 iter_args(%parallel_loop3A_67 = %parallel_loop3A_64) -> (f32)  : i32 {
          %parallel_loop3A_68 = arith.constant 16 : i32
          %parallel_loop3A_69 = arith.muli %parallel_loop3A_66, %parallel_loop3A_68 : i32
          %parallel_loop3A_70 = arith.constant 16 : i32
          %parallel_loop3A_71 = arith.muli %parallel_loop3A_66, %parallel_loop3A_70 : i32
          %parallel_loop3A_72 = tpu.iota {dimensions = array<i32: 0>} : vector<16xi32>
          %parallel_loop3A_73 = vector.broadcast %parallel_loop3A_71 : i32 to vector<16xi32>
          %parallel_loop3A_74 = arith.addi %parallel_loop3A_73, %parallel_loop3A_72 : vector<16xi32>
          %parallel_loop3A_75 = arith.index_cast %parallel_loop3A_69 : i32 to index
          %parallel_loop3A_76 = tpu.vector_load %arg11[%parallel_loop3A_75] {strides = array<i32>} : memref<1024xf32, #tpu.memory_space<vmem>>, vector<16xf32>,
          %parallel_loop3A_77 = arith.index_cast %parallel_loop3A_69 : i32 to index
          %parallel_loop3A_78 = tpu.vector_load %arg12[%parallel_loop3A_77] {strides = array<i32>} : memref<1024xi32, #tpu.memory_space<vmem>>, vector<16xi32>,
          %parallel_loop3A_79 = arith.constant 0 : i32
          %parallel_loop3A_80 = arith.constant 1023 : i32
          %parallel_loop3A_81 = vector.broadcast %parallel_loop3A_79 : i32 to vector<16xi32>
          %parallel_loop3A_82 = arith.maxsi %parallel_loop3A_81, %parallel_loop3A_78 : vector<16xi32>
          %parallel_loop3A_83 = vector.broadcast %parallel_loop3A_80 : i32 to vector<16xi32>
          %parallel_loop3A_84 = arith.minsi %parallel_loop3A_83, %parallel_loop3A_82 : vector<16xi32>
          %parallel_loop3A_85 = tpu.vector_load_idx %arg12[%parallel_loop3A_84] : memref<1024xi32, #tpu.memory_space<vmem>>[vector<16xi32>], vector<16xi32>,
          %parallel_loop3A_86 = arith.constant 0.000000e+00 : f32
          %parallel_loop3A_87 = vector.broadcast %parallel_loop3A_86 : f32 to vector<16xf32>
          %parallel_loop3A_88 = arith.cmpf ogt, %parallel_loop3A_76, %parallel_loop3A_87 : vector<16xf32>
          %parallel_loop3A_89 = arith.cmpi eq, %parallel_loop3A_85, %parallel_loop3A_74 : vector<16xi32>
          %parallel_loop3A_90 = arith.andi %parallel_loop3A_88, %parallel_loop3A_89 : vector<16xi1>
          %parallel_loop3A_91 = arith.index_cast %parallel_loop3A_69 : i32 to index
          %parallel_loop3A_92 = tpu.vector_load %arg10[%parallel_loop3A_91] {strides = array<i32>} : memref<1024xf32, #tpu.memory_space<vmem>>, vector<16xf32>,
          %parallel_loop3A_93 = arith.constant 0.000000e+00 : f32
          %parallel_loop3A_94 = vector.broadcast %parallel_loop3A_93 : f32 to vector<16xf32>
          %parallel_loop3A_95 = arith.select %parallel_loop3A_90, %parallel_loop3A_94, %parallel_loop3A_92 : vector<16xi1>, vector<16xf32>
          %parallel_loop3A_96 = arith.index_cast %parallel_loop3A_69 : i32 to index
          %parallel_loop3A_97 = tpu.vector_load %arg10[%parallel_loop3A_96] {strides = array<i32>} : memref<1024xf32, #tpu.memory_space<vmem>>, vector<16xf32>,
          tpu.vector_store %arg10[%parallel_loop3A_96], %parallel_loop3A_95 {strides = array<i32>} : memref<1024xf32, #tpu.memory_space<vmem>>, vector<16xf32>,
          %parallel_loop3A_98 = arith.constant true
          %parallel_loop3A_99 = vector.broadcast %parallel_loop3A_98 : i1 to vector<16xi1>
          %parallel_loop3A_100 = tpu.scan <max>, %parallel_loop3A_76 masked %parallel_loop3A_99 : vector<16xf32>, vector<16xi1> -> vector<16xf32>
          %parallel_loop3A_101 = vector.extract %parallel_loop3A_100[15] : f32 from vector<16xf32>
          %parallel_loop3A_102 = arith.maximumf %parallel_loop3A_67, %parallel_loop3A_101 : f32
          scf.yield %parallel_loop3A_102 : f32
        } {sc.loop_unroll_factor = 4 : i64, sc.parallel_access}
        scf.yield %parallel_loop3A_65 : f32
      }
      %scan3A_20 = arith.constant 0 : i32
      %scan3A_21 = arith.constant 0 : i32
      %scan3A_22 = arith.constant 64 : i32
      %scan3A_23 = arith.addi %scan3A_21, %scan3A_22 : i32
      %scan3A_24 = arith.constant 1 : i32
      scf.for %scan3A_32 = %scan3A_21 to %scan3A_23 step %scan3A_24  : i32 {
        %parallel_loop3A_33 = arith.constant 0 : i32
        %parallel_loop3A_34 = arith.constant 64 : i32
        %parallel_loop3A_35 = arith.constant 1 : i32
        scf.for %parallel_loop3A_36 = %parallel_loop3A_33 to %parallel_loop3A_34 step %parallel_loop3A_35  : i32 {
          %parallel_loop3A_37 = arith.constant 0.000000e+00 : f32
          %parallel_loop3A_38 = vector.broadcast %parallel_loop3A_37 : f32 to vector<16xf32>
          %parallel_loop3A_39 = arith.constant 16 : i32
          %parallel_loop3A_40 = arith.muli %parallel_loop3A_36, %parallel_loop3A_39 : i32
          %parallel_loop3A_41 = arith.index_cast %scan3A_32 : i32 to index
          %parallel_loop3A_42 = arith.index_cast %parallel_loop3A_40 : i32 to index
          %parallel_loop3A_43 = tpu.vector_load %arg6[%parallel_loop3A_41, %parallel_loop3A_42] {strides = array<i32>} : memref<64x1024xf32, #tpu.memory_space<vmem>>, vector<16xf32>,
          tpu.vector_store %arg6[%parallel_loop3A_41, %parallel_loop3A_42], %parallel_loop3A_38 {strides = array<i32>} : memref<64x1024xf32, #tpu.memory_space<vmem>>, vector<16xf32>,
        } {sc.loop_unroll_factor = 8 : i64, sc.parallel_access}
      }
      %scan3A_25 = arith.constant 64 : i32
      %scan3A_26 = arith.constant 0 : i32
      %scan3A_27 = arith.constant 0 : i32
      %scan3A_28 = arith.constant 4 : i32
      %scan3A_29 = arith.addi %scan3A_27, %scan3A_28 : i32
      %scan3A_30 = arith.constant 1 : i32
      scf.for %scan3A_32 = %scan3A_27 to %scan3A_29 step %scan3A_30  : i32 {
        %mul3A_33 = arith.constant 16 : i32
        %mul3A_34 = arith.muli %scan3A_32, %mul3A_33 : i32
        %get3A = arith.index_cast %mul3A_34 : i32 to index
        %get3A_35 = tpu.vector_load %arg14[%get3A] {strides = array<i32>} : memref<64xi32, #tpu.memory_space<vmem>>, vector<16xi32>,
        %get3A_36 = arith.index_cast %mul3A_34 : i32 to index
        %get3A_37 = tpu.vector_load %arg13[%get3A_36] {strides = array<i32>} : memref<64xf32, #tpu.memory_space<vmem>>, vector<16xf32>,
        %mul3A_38 = arith.constant 16 : i32
        %mul3A_39 = arith.muli %scan3A_32, %mul3A_38 : i32
        %iota3A = tpu.iota {dimensions = array<i32: 0>} : vector<16xi32>
        %add3A = vector.broadcast %mul3A_39 : i32 to vector<16xi32>
        %add3A_40 = arith.addi %add3A, %iota3A : vector<16xi32>
        %jit3A = arith.constant 0 : i32
        %jit3A_41 = arith.constant 1023 : i32
        %max3A = vector.broadcast %jit3A : i32 to vector<16xi32>
        %max3A_42 = arith.maxsi %max3A, %get3A_35 : vector<16xi32>
        %min3A = vector.broadcast %jit3A_41 : i32 to vector<16xi32>
        %min3A_43 = arith.minsi %min3A, %max3A_42 : vector<16xi32>
        %ge3A = arith.constant 0 : i32
        %ge3A_44 = vector.broadcast %ge3A : i32 to vector<16xi32>
        %ge3A_45 = arith.cmpi sge, %get3A_35, %ge3A_44 : vector<16xi32>
        tpu.vector_store_idx %arg6[%add3A_40, %min3A_43], %get3A_37 masked %ge3A_45 : memref<64x1024xf32, #tpu.memory_space<vmem>>[vector<16xi32>, vector<16xi32>], vector<16xf32>, vector<16xi1>
      }
      %scan3A_31 = arith.constant 4 : i32
      "tpu.region"() ({
        %run_scoped3A = tpu.sem_alloc : memref<!tpu.dma_semaphore, #tpu.memory_space<semaphore_mem>>
        %dma_start3A_32 = arith.constant 0 : i32
        %dma_start3A_33 = tpu.memref_slice %arg5[%mul3A_2, %dma_start3A_32] : memref<1024x1024xf32, #tpu.memory_space<hbm>> -> memref<64x1024xf32, #tpu.memory_space<hbm>>
        %dma_start3A_34 = arith.constant 0 : i32
        %dma_start3A_35 = tpu.memref_slice %arg5[%mul3A_2, %dma_start3A_34] : memref<1024x1024xf32, #tpu.memory_space<hbm>> -> memref<64x1024xf32, #tpu.memory_space<hbm>>
        tpu.enqueue_dma source(%arg6 : memref<64x1024xf32, #tpu.memory_space<vmem>>) target(%dma_start3A_35 : memref<64x1024xf32, #tpu.memory_space<hbm>>) target_semaphore(%run_scoped3A : memref<!tpu.dma_semaphore, #tpu.memory_space<semaphore_mem>>)
        %dma_wait3A_36 = arith.constant 0 : i32
        %dma_wait3A_37 = tpu.memref_slice %arg5[%mul3A_2, %dma_wait3A_36] : memref<1024x1024xf32, #tpu.memory_space<hbm>> -> memref<64x1024xf32, #tpu.memory_space<hbm>>
        %dma_wait3A_38 = arith.constant 0 : i32
        %dma_wait3A_39 = tpu.memref_slice %arg5[%mul3A_2, %dma_wait3A_38] : memref<1024x1024xf32, #tpu.memory_space<hbm>> -> memref<64x1024xf32, #tpu.memory_space<hbm>>
        tpu.wait_dma2 semaphore(%run_scoped3A : memref<!tpu.dma_semaphore, #tpu.memory_space<semaphore_mem>>) src(%arg6 : memref<64x1024xf32, #tpu.memory_space<vmem>>) dst(%dma_wait3A_39 : memref<64x1024xf32, #tpu.memory_space<hbm>>)
        tpu.yield
      }) : () -> ()
    } else {
    }
    return
  }
}

</mosaic_0001>

<sc_bundles>
// kernel: kernel.3.cloned.1.call-start
scs
__scs_entry_jumppad:
0x0: {  	(pc) =	sbr.rel $0x88, $3  }
0x1: {  	(tag) =	ssettag $0x0;
	lr =	simm.s32 $0x1  }
0x2: {  	[smem:$0x3F9F] =	sst lr;
	_ =	strace $0xD0000000  }
0x3: {  	_ = 	snop  }
0x4: {  	_ = 	snop  }
0x5: {  	_ = 	snop  }
0x6: {  	_ = 	snop  }
0x7: {  	_ = 	snop  }
__scs_overlays_trampoline_lowered:
0x8: {  	[smem:$0x3FAE] =	sst s0  }
0x9: {  	[smem:$0x3FAF] =	sst s1  }
0xa: {  	[smem:$0x3FB0] =	sst s2  }
0xb: {  	[smem:$0x3FB1] =	sst s3  }
0xc: {  	[smem:$0x3FB2] =	sst s4  }
0xd: {  	[smem:$0x3FB3] =	sst s5  }
0xe: {  	[smem:$0x3FB4] =	sst s6  }
0xf: {  	[smem:$0x3FB5] =	sst s7  }
0x10: {  	[smem:$0x3FB6] =	sst s8  }
0x11: {  	[smem:$0x3FB7] =	sst s9;
	s0 =	simm.s32 @!p0 $0x0  }
0x12: {  	s1 =	sld [smem:$0x3F9D];
	s0 =	simm.s32 @p0 $0x1  }
0x13: {  	[smem:$0x3FB8] =	sst s0;
	s0 =	simm.s32 @!p1 $0x0  }
0x14: {  	s2 =	sld [smem:$0x3F9C];
	s0 =	simm.s32 @p1 $0x1  }
0x15: {  	[smem:$0x3FB9] =	sst s0;
	s0 =	simm.s32 @!p2 $0x0  }
0x16: {  	s3 =	sld [smem:$0x3FDB];
	s0 =	simm.s32 @p2 $0x1  }
0x17: {  	s4 =	simm.s32 $0x1BF5;
	[smem:$0x3FBB] =	sst s0  }
0x18: {  	s0 =	sld [smem:$0x3F9E];
	_ =	swait.ge [sflag:s4], $0x0  }
0x19: {  	s7 =	sld [smem:$0x3F9F]  }
0x1a: {  	s8 =	sadd.s32 $0xFFFFE003, lr  }
0x1b: {  	s9 =	sadd.s32 $0xFFFFFEF7, lr;
	s5 =	simm.s32 $0xFFFFFFFF;
	p2 =	slt.u32 s8, $0xFFFFF086  }
0x1c: {  	p1 =	slt.u32 s9, $0xF7A;
	s5 =	simm.s32 @!p2 $0x0  }
0x1d: {  	s5 =	simm.s32 @p1 $0x1;
	p0 =	seq.s32 s7, s2  }
0x1e: {  	s7 =	smul.u32 @!p0 $0xF7A, s2;
	p2 =	seq.s32 @!p0 s5, $0x0  }
0x1f: {  	s9 =	smul.u32 $0xF7A, s1;
	s8 =	simm.s32 @!p0 $0x1BF5;
	p2 =	por !p2, p0  }
0x20: {  	[sflag:s8] =	ssyncset.s32 @!p0 $0xFFFFF086;
	s6 =	sadd.s32 @!p0 s3, s7;
	s7 =	simm.s32 @!p0 $0x108  }
0x21: {  	s3 =	sadd.s32 s3, s9;
	s6 =	sadd.s32 @!p0 $0x88, s6;
	s7 =	simm.s32 @p2 $0x1082  }
0x22: {  	[simem:s7], [sflag:s8] =	dma.local @!p0 [hbm:s6], $0xF7A  }
0x23: {  	s9 =	sor.u32 $0xD0000000, s2;
	s6 =	simm.s32 $0x108;
	_ =	swait.ge @!p0 [sflag:s8], $0x0  }
0x24: {  	s3 =	sadd.s32 $0x88, s3;
	s6 =	simm.s32 @!p1 $0x1082;
	[sflag:s4] =	ssyncset.s32 $0xFFFFF086  }
0x25: {  	[simem:s6], [sflag:s4] =	dma.local [hbm:s3], $0xF7A  }
0x26: {  	[smem:$0x3F9F] =	sst s1;
	(tag) =	ssettag s2;
	_ =	strace s9  }
0x27: {  	s1 =	sld [smem:$0x3FAF]  }
0x28: {  	s2 =	sld [smem:$0x3FB0]  }
0x29: {  	s4 =	sld [smem:$0x3FB2]  }
0x2a: {  	p0 =	seq.s32 s5, $0x0;
	s5 =	sld [smem:$0x3FB3]  }
0x2b: {  	s6 =	sld [smem:$0x3FB4]  }
0x2c: {  	s7 =	sld [smem:$0x3FB5]  }
0x2d: {  	s3 =	simm.s32 $0x108;
	s8 =	sld [smem:$0x3FB6]  }
0x2e: {  	s3 =	simm.s32 @!p0 $0x1082;
	s9 =	sld [smem:$0x3FB7]  }
0x2f: {  	lr =	sadd.s32 s0, s3;
	s0 =	sld [smem:$0x3FAE]  }
0x30: {  	s3 =	sld [smem:$0x3FB1]  }
0x31: {  	[smem:$0x3FBA] =	sst s10  }
0x32: {  	s10 =	sld [smem:$0x3FB8];
	_ =	sdelay $0x3  }
0x33: {  	p0 =	seq.s32 s10, $0x1;
	s10 =	sld [smem:$0x3FBA];
	_ =	sdelay $0x3  }
0x34: {  	[smem:$0x3FBA] =	sst s10  }
0x35: {  	s10 =	sld [smem:$0x3FB9];
	_ =	sdelay $0x3  }
0x36: {  	p1 =	seq.s32 s10, $0x1;
	s10 =	sld [smem:$0x3FBA];
	_ =	sdelay $0x3  }
0x37: {  	[smem:$0x3FBA] =	sst s10  }
0x38: {  	s10 =	sld [smem:$0x3FBB]  }
0x39: {  	_ = 	snop;
	(pc) =	sbr.ind lr, $3  }
0x3a: {  	_ = 	snop  }
0x3b: {  	_ = 	snop  }
0x3c: {  	p2 =	seq.s32 s10, $0x1;
	s10 =	sld [smem:$0x3FBA]  }
0x3d: {  	_ =	shalt  }
0x3e: {  	_ =	shalt  }
0x3f: {  	_ =	shalt  }
0x40: {  	_ =	shalt  }
0x41: {  	_ =	shalt  }
0x42: {  	_ =	shalt  }
0x43: {  	_ =	shalt  }
0x44: {  	_ =	shalt  }
0x45: {  	_ =	shalt  }
0x46: {  	_ =	shalt  }
0x47: {  	_ =	shalt  }
0x48: {  	_ =	shalt  }
0x49: {  	_ =	shalt  }
0x4a: {  	_ =	shalt  }
0x4b: {  	_ =	shalt  }
0x4c: {  	_ =	shalt  }
0x4d: {  	_ =	shalt  }
0x4e: {  	_ =	shalt  }
0x4f: {  	_ =	shalt  }
0x50: {  	_ =	shalt  }
0x51: {  	_ =	shalt  }
0x52: {  	_ =	shalt  }
0x53: {  	_ =	shalt  }
0x54: {  	_ =	shalt  }
0x55: {  	_ =	shalt  }
0x56: {  	_ =	shalt  }
0x57: {  	_ =	shalt  }
0x58: {  	_ =	shalt  }
0x59: {  	_ =	shalt  }
0x5a: {  	_ =	shalt  }
0x5b: {  	_ =	shalt  }
0x5c: {  	_ =	shalt  }
0x5d: {  	_ =	shalt  }
0x5e: {  	_ =	shalt  }
0x5f: {  	_ =	shalt  }
0x60: {  	_ =	shalt  }
0x61: {  	_ =	shalt  }
0x62: {  	_ =	shalt  }
0x63: {  	_ =	shalt  }
0x64: {  	_ =	shalt  }
0x65: {  	_ =	shalt  }
0x66: {  	_ =	shalt  }
0x67: {  	_ =	shalt  }
0x68: {  	_ =	shalt  }
0x69: {  	_ =	shalt  }
0x6a: {  	_ =	shalt  }
0x6b: {  	_ =	shalt  }
0x6c: {  	_ =	shalt  }
0x6d: {  	_ =	shalt  }
0x6e: {  	_ =	shalt  }
0x6f: {  	_ =	shalt  }
0x70: {  	_ =	shalt  }
0x71: {  	_ =	shalt  }
0x72: {  	_ =	shalt  }
0x73: {  	_ =	shalt  }
0x74: {  	_ =	shalt  }
0x75: {  	_ =	shalt  }
0x76: {  	_ =	shalt  }
0x77: {  	_ =	shalt  }
0x78: {  	_ =	shalt  }
0x79: {  	_ =	shalt  }
0x7a: {  	_ =	shalt  }
0x7b: {  	_ =	shalt  }
0x7c: {  	_ =	shalt  }
0x7d: {  	_ =	shalt  }
0x7e: {  	_ =	shalt  }
0x7f: {  	_ =	shalt  }
0x80: {  	_ =	shalt  }
0x81: {  	_ =	shalt  }
0x82: {  	_ =	shalt  }
0x83: {  	_ =	shalt  }
0x84: {  	_ =	shalt  }
0x85: {  	_ =	shalt  }
0x86: {  	_ =	shalt  }
0x87: {  	_ =	shalt  }
.Lfunc_end0:
.L_simem_size_0:
called_computation_lowered:
.L_overlay_start_0:
0x88: {  	s2 =	sld [smem:$0x3FD9]  }
0x89: {  	s3 =	sld [smem:$0x3FFE];
	_ =	sdelay $0x1  }
0x8a: {  	s1 =	srdreg.scid  }
0x8b: {  	s0 =	sand.u32 $0x1, s1  }
0x8c: {  	s17 =	sshll.u32 s0, $0xA;
	s2 =	sadd.s32 s3, s2  }
0x8d: {  	s2 =	sadd.s32 s2, s17  }
0x8e: {  	[smem:$0x3FC6] =	sst s2  }
0x8f: {  	_ = 	snop  }
0x90: {  	s2 =	sld [smem:$0x3FC9]  }
0x91: {  	s18 =	sld [smem:$0x3FD0];
	(tm) =	ssettm $0x1  }
0x92: {  	s4 =	sld [smem:$0x3FFB];
	_ =	sdelay $0x3  }
0x93: {  	_ =	strace s4  }
0x94: {  	s4 =	sld [smem:$0x3FFC];
	_ =	sdelay $0x3  }
0x95: {  	_ =	strace s4  }
0x96: {  	s4 =	sld [smem:$0x3FFD];
	_ =	sdelay $0x3  }
0x97: {  	_ =	strace s4  }
0x98: {  	_ =	strace $0x8FFFFFFF  }
0x99: {  	s19 =	sld [smem:$0x3FDB];
	_ =	sdelay $0x1  }
0x9a: {  	s5 =	simm.s32 $_scs_section_size  }
0x9b: {  	s6 =	simm.s32 $_size__tile_overlayer_lowered;
	s7 =	simm.s32 $_tile_overlayer_lowered  }
0x9c: {  	s22 =	simm.s32 $0x1BFF;
	s21 =	sshll.u32 s7, $0x1;
	s4 =	sadd.s32 s5, s19  }
0x9d: {  	s8 =	simm.s32 $0x0;
	s20 =	sshll.u32 s6, $0x1;
	s6 =	sadd.s32 s21, s4  }
0x9e: {  	[timem:s8], [sflag:s22] =	dma.local [hbm:s6], s20  }
0x9f: {  	_ =	swait.ge [sflag:s22], s20  }
0xa0: {  	s5 =	ssub.s32 $0x0, s20;
	[sflag:s22] =	ssyncset.done $0x0  }
0xa1: {  	[sflag:s22] =	ssyncadd.s32 s5;
	_ =	sdelay $0x1  }
0xa2: {  	s23 =	simm.s32 $0x1B8B  }
0xa3: {  	_ =	swait.ge [sflag:s23], $0x1  }
0xa4: {  	[sflag:s23] =	ssyncset.done $0x0  }
0xa5: {  	s25 =	simm.s32 $0x1B8E;
	s24 =	sld [smem:$0x3FFE];
	[sflag:s23] =	ssyncadd.s32 $0xFFFFFFFF  }
0xa6: {  	s26 =	simm.s32 $execute0_lowered;
	[smem:$0x3FD2] =	sst s25  }
0xa7: {  	s6 =	sshll.u32 s26, $0x1;
	_ =	strace $0x80000046;
	[dreg:$0x1] =	wrdreg $0xFFFFFFFF  }
0xa8: {  	s28 =	simm.s32 $_size_execute0_lowered;
	s4 =	sadd.s32 s4, s6;
	[dreg:$0x0] =	wrdreg $0x0  }
0xa9: {  	s6 =	sshll.u32 s28, $0x1;
	[dreg:$0x2] =	wrdreg s4  }
0xaa: {  	[dreg:$0x3] =	wrdreg s6  }
0xab: {  	[dreg:$0x4] =	wrdreg $0xC0  }
0xac: {  	_ =	task [dreg:s8], $0x5FFFF  }
0xad: {  	[dreg:$0x1] =	wrdreg $0xFFFFFFFF  }
0xae: {  	[dreg:$0x0] =	wrdreg $0x60  }
0xaf: {  	[dreg:$0x2] =	wrdreg s2  }
0xb0: {  	[dreg:$0x3] =	wrdreg s24  }
0xb1: {  	[dreg:$0x4] =	wrdreg s18  }
0xb2: {  	[dreg:$0x5] =	wrdreg $0x161000  }
0xb3: {  	[dreg:$0x6] =	wrdreg $0x161400  }
0xb4: {  	[dreg:$0x7] =	wrdreg $0x9  }
0xb5: {  	_ =	task.clear_ibuf [dreg:s8], $0x8FFFF;
	_ =	strace $0x90000046  }
0xb6: {  	s29 =	simm.s32 $0x9;
	_ =	strace $0x80000048  }
0xb7: {  	_ =	swait.ge [sflag:s29], $0x1  }
0xb8: {  	[sflag:s29] =	ssyncadd.s32 $0xFFFFFFFF  }
0xb9: {  	_ =	strace $0x90000048  }
0xba: {  	_ =	sfence  }
0xbb: {  	s30 =	sld [smem:$0x0];
	_ =	sdelay $0x2  }
0xbc: {  	s31 =	sshll.u32 s1, $0xD;
	s1 =	sshrl.u32 s1, $0x2  }
0xbd: {  	s3 =	sand.u32 $0x4000, s31;
	s1 =	sadd.s32 s1, s30  }
0xbe: {  	s0 =	sor.u32 s3, s0;
	s1 =	sshll.u32 s1, $0x11  }
0xbf: {  	s0 =	sor.u32 s1, s0  }
0xc0: {  	s0 =	sadd.s32 $0x8F2B, s0  }
0xc1: {  	[sflag:s0] =	ssyncadd.remote.s32 $0x1  }
0xc2: {  	_ =	sfence.sel $0xFFFF  }
0xc3: {  	[dreg:$0x0] =	wrdreg $0xFFFFFFFF;
	(pc) =	sbr.abs _section_cstart, $3  }
0xc4: {  	[dreg:$0x1] =	wrdreg $0xFFFFFFFF  }
0xc5: {  	_ =	task.clear_ibuf [dreg:s8], $0x2FFFF;
	_ =	strace $0x9FFFFFFF  }
0xc6: {  	(tm) =	ssettm $0x7FFFFFFF  }
0xc7: {  	_ =	shalt  }
tec
execute0_lowered:
.L_overlay_start_1:
0x0: {  	(tag) =	ssettag $0x1  }
0x1: {  	s1 =	srdreg.scid  }
0x2: {  	s5 =	rddreg [dreg:$0x0];
	s1 =	sand.u32 $0x1, s1  }
0x3: {  	s6 =	rddreg [dreg:$0x1];
	p0 =	seq.s32 s1, $0x1  }
.Ltmp0:
0x4: {  	s2 =	rddreg [dreg:$0x2];
	(pc) =	sbr.rel @p0 .LBB2_21-.Ltmp0, $4  }
0x5: {  	s3 =	rddreg [dreg:$0x3]  }
0x6: {  	s4 =	rddreg [dreg:$0x4];
	s7 =	simm.s32 $0x0  }
0x7: {  	[smem:$0x7FF] =	sst s7  }
0x8: {  	s0 =	rddreg [dreg:$0x5];
	_ =	strace $0x80000047;
	s1 =	stileid.u32  }
0x9: {  	s13 =	sshll.u32 s1, $0xD  }
0xa: {  	s5 =	sadd.s32 s5, s13  }
0xb: {  	[tilespmem:s7], [sflag:$0x1] =	stream.linear.gather [hbm4b:s5+s7], $0x10000, $0x38;
	[tilespmem:$0x16180] =	vst v63  }
0xc: {  	s30 =	sadd.s32 $0x600, s6;
	s8 =	simm.s32 $0x14000;
	s31 =	simm.s32 $0x2  }
0xd: {  	[tilespmem:s8], [sflag:$0x2] =	stream.linear.gather [hbm4b:s30+s7], $0x1000, $0x38;
	[tilespmem:$0x16180] =	vst v63  }
0xe: {  	_ =	swait.ge [sflag:s31], $0x1000  }
0xf: {  	[sflag:s31] =	ssyncset.done $0x0  }
0x10: {  	s14 =	simm.s32 $0x14100;
	[sflag:s31] =	ssyncadd.s32 $0xFFFFF000  }
0x11: {  	v1 =	vld [tilespmem:s14+$0xFFFFFF70]  }
0x12: {  	v4 =	vld [tilespmem:s14+$0xFFFFFFF0]  }
0x13: {  	v5 =	vld [tilespmem:s14+$0x70]  }
0x14: {  	v0 =	vld [tilespmem:s14+$0xF0]  }
0x15: {  	v2 =	vld [tilespmem:s14+$0xFFFFFF80]  }
0x16: {  	v3 =	vld [tilespmem:s14+$0x0]  }
0x17: {  	v10 =	vld [tilespmem:s14+$0x80]  }
0x18: {  	v6 =	vld [tilespmem:s14+$0xFFFFFF10]  }
0x19: {  	v7 =	vld [tilespmem:s14+$0xFFFFFF90]  }
0x1a: {  	v8 =	vld [tilespmem:s14+$0x10]  }
0x1b: {  	v9 =	vld [tilespmem:s14+$0x90]  }
0x1c: {  	v11 =	vld [tilespmem:s14+$0xFFFFFF20]  }
0x1d: {  	v12 =	vld [tilespmem:s14+$0xFFFFFFA0]  }
0x1e: {  	v13 =	vld [tilespmem:s14+$0x20];
	v14 =	vmax.f32 v1, v4;
	v0 =	vmax.f32 v5, v0  }
0x1f: {  	v15 =	vld [tilespmem:s14+$0xA0];
	v14 =	vmax.f32 v14, v0  }
0x20: {  	v16 =	vld [tilespmem:s14+$0xFFFFFF30];
	v0 =	vimm.f32 $7.000000000e+00;
	vm0 =	veq.f32 v5, v14  }
0x21: {  	v17 =	vld [tilespmem:s14+$0xB0];
	v9 =	vmax.f32 v8, v9;
	vm1 =	veq.f32 v4, v14;
	v4 =	vsel vm0, $0x40A00000, v0  }
0x22: {  	v5 =	vld [tilespmem:s14+$0xFFFFFFB0];
	vm0 =	veq.f32 v1, v14;
	v1 =	vsel vm1, $0x40400000, v4;
	v4 =	vmax.f32 v6, v7  }
0x23: {  	v14 =	vld [tilespmem:s14+$0x30];
	v18 =	vsel vm0, $0x40000000, v1;
	v4 =	vmax.f32 v4, v9  }
0x24: {  	v19 =	vld [tilespmem:s14+$0xFFFFFF40];
	v9 =	vmax.f32 v13, v15;
	vm0 =	veq.f32 v7, v4;
	v7 =	vmax.f32 v11, v12  }
0x25: {  	v20 =	vld [tilespmem:s14+$0x40];
	v1 =	vimm.f32 $1.000000000e+00;
	vm1 =	veq.f32 v8, v4;
	v7 =	vmax.f32 v7, v9  }
0x26: {  	v15 =	vld [tilespmem:s14+$0xFFFFFFC0];
	vm2 =	veq.f32 v6, v4;
	v4 =	vsel vm1, $0x40A00000, v0;
	vm1 =	veq.f32 v13, v7  }
0x27: {  	s11 =	simm.s32 $0x15040;
	v13 =	vld [tilespmem:s14+$0xC0];
	v4 =	vsel vm0, $0x40400000, v4;
	vm0 =	veq.f32 v12, v7;
	v9 =	vsel vm1, $0x40A00000, v0  }
0x28: {  	s12 =	simm.s32 $0x15440;
	v6 =	vld [tilespmem:s14+$0xFFFFFF50];
	[tilespmem:s11+$0x30] =	vst v18;
	vm1 =	veq.f32 v11, v7;
	v7 =	vmax.f32 v16, v5;
	v11 =	vmax.f32 v14, v17  }
0x29: {  	v8 =	vld [tilespmem:s14+$0xFFFFFFD0];
	[tilespmem:s12+$0x30] =	vst v1;
	v4 =	vsel vm2, $0x40000000, v4;
	v12 =	vsel vm0, $0x40400000, v9;
	v7 =	vmax.f32 v7, v11  }
0x2a: {  	v17 =	vld [tilespmem:s14+$0xD0];
	[tilespmem:s11+$0xFFFFFFD0] =	vst v4;
	v4 =	vsel vm1, $0x40000000, v12;
	vm1 =	veq.f32 v14, v7  }
0x2b: {  	v9 =	vld [tilespmem:s14+$0x50];
	vm0 =	veq.f32 v5, v7;
	[tilespmem:s11+$0xFFFFFFE0] =	vst v4;
	v4 =	vmax.f32 v19, v15;
	v11 =	vsel vm1, $0x40A00000, v0  }
0x2c: {  	v5 =	vld [tilespmem:s14+$0xFFFFFF60];
	[tilespmem:s12+$0xFFFFFFD0] =	vst v1;
	vm1 =	veq.f32 v16, v7;
	v12 =	vmax.f32 v20, v13;
	v11 =	vsel vm0, $0x40400000, v11  }
0x2d: {  	s10 =	sadd.s32 $0x800, s6;
	v7 =	vld [tilespmem:s14+$0xFFFFFFE0];
	[tilespmem:s12+$0xFFFFFFE0] =	vst v1;
	v12 =	vmax.f32 v4, v12;
	v11 =	vsel vm1, $0x40000000, v11  }
0x2e: {  	s0 =	sadd.s32 s2, s13;
	s13 =	simm.s32 $0x0;
	s5 =	sshll.u32 s1, $0x6;
	v4 =	vmax.f32 v3, v10;
	v10 =	vld [tilespmem:s14+$0x60];
	vm1 =	veq.f32 v20, v12;
	[tilespmem:s11+$0xFFFFFFF0] =	vst v11  }
0x2f: {  	s6 =	sadd.s32 s5, s3;
	s9 =	sor.u32 $0x15C00, s5;
	vm2 =	veq.f32 v15, v12;
	vm0 =	veq.f32 v19, v12;
	v12 =	vld [tilespmem:s14+$0xE0];
	v14 =	vsel vm1, $0x40A00000, v0;
	[dreg:$0x6] =	wrdreg s0  }
0x30: {  	s7 =	sor.u32 $0x15800, s5;
	s8 =	sadd.s32 s5, s4;
	v13 =	vmax.f32 v6, v8;
	v15 =	vmax.f32 v9, v17;
	[tilespmem:s12+$0xFFFFFFF0] =	vst v1;
	v11 =	vld [tilespmem:s14+$0xFFFFFF00];
	v14 =	vsel vm2, $0x40400000, v14;
	s14 =	simm.s32 $0x14300  }
.LBB2_2:
0x31: {  	v16 =	vld [tilespmem:s14+$0xFFFFFF70];
	v14 =	vsel vm0, $0x40000000, v14;
	v13 =	vmax.f32 v13, v15  }
0x32: {  	v15 =	vld [tilespmem:s14+$0xFFFFFFF0];
	[tilespmem:s11+$0x0] =	vst v14;
	vm0 =	veq.f32 v8, v13;
	vm1 =	veq.f32 v9, v13;
	v8 =	vmax.f32 v5, v7  }
0x33: {  	vm2 =	veq.f32 v6, v13;
	v9 =	vld [tilespmem:s14+$0x70];
	[tilespmem:s12+$0x0] =	vst v1;
	v6 =	vsel vm1, $0x40A00000, v0  }
0x34: {  	v13 =	vld [tilespmem:s14+$0xF0];
	v6 =	vsel vm0, $0x40400000, v6;
	v12 =	vmax.f32 v10, v12  }
0x35: {  	s13 =	sadd.s32 $0x8, s13;
	v14 =	vld [tilespmem:s14+$0xFFFFFF80];
	v17 =	vmax.f32 v11, v2;
	v6 =	vsel vm2, $0x40000000, v6;
	v8 =	vmax.f32 v8, v12  }
0x36: {  	p0 =	slt.u32 s13, $0x38;
	v12 =	vld [tilespmem:s14+$0x0];
	v4 =	vmax.f32 v17, v4;
	[tilespmem:s11+$0x10] =	vst v6;
	vm0 =	veq.f32 v7, v8;
	vm1 =	veq.f32 v10, v8  }
0x37: {  	v6 =	vld [tilespmem:s14+$0x80];
	vm2 =	veq.f32 v2, v4;
	vm3 =	veq.f32 v3, v4;
	[tilespmem:s12+$0x10] =	vst v1;
	v2 =	vsel vm1, $0x40A00000, v0  }
0x38: {  	vm1 =	veq.f32 v11, v4;
	v7 =	vld [tilespmem:s14+$0xFFFFFF10];
	v3 =	vsel vm3, $0x40A00000, v0;
	v4 =	vsel vm0, $0x40400000, v2  }
0x39: {  	v17 =	vmax.f32 v16, v15;
	v10 =	vld [tilespmem:s14+$0xFFFFFF90];
	v11 =	vmax.f32 v9, v13;
	v18 =	vsel vm2, $0x40400000, v3  }
0x3a: {  	vm0 =	veq.f32 v5, v8;
	v13 =	vld [tilespmem:s14+$0x10];
	v11 =	vmax.f32 v17, v11;
	v17 =	vsel vm1, $0x40000000, v18;
	v2 =	vmovc v14  }
0x3b: {  	v8 =	vsel vm0, $0x40000000, v4;
	v5 =	vld [tilespmem:s14+$0x90];
	vm1 =	veq.f32 v9, v11;
	[tilespmem:s11+$0xFFFFFFC0] =	vst v17;
	v3 =	vmov v12  }
0x3c: {  	vm0 =	veq.f32 v15, v11;
	v4 =	vmax.f32 v3, v6;
	v6 =	vld [tilespmem:s14+$0xFFFFFF20];
	v9 =	vsel vm1, $0x40A00000, v0;
	[tilespmem:s12+$0xFFFFFFC0] =	vst v1  }
0x3d: {  	vm1 =	veq.f32 v16, v11;
	v12 =	vld [tilespmem:s14+$0xFFFFFFA0];
	v9 =	vsel vm0, $0x40400000, v9;
	[tilespmem:s11+$0x20] =	vst v8  }
0x3e: {  	s11 =	sadd.s32 $0x80, s11;
	v8 =	vmax.f32 v7, v10;
	v11 =	vld [tilespmem:s14+$0x20];
	v9 =	vsel vm1, $0x40000000, v9;
	[tilespmem:s12+$0x20] =	vst v1  }
0x3f: {  	s12 =	sadd.s32 $0x80, s12;
	v14 =	vld [tilespmem:s14+$0xA0];
	[tilespmem:s11+$0x30] =	vst v9  }
0x40: {  	v5 =	vmax.f32 v13, v5;
	v15 =	vld [tilespmem:s14+$0xFFFFFF30];
	[tilespmem:s12+$0x30] =	vst v1  }
0x41: {  	v5 =	vmax.f32 v8, v5;
	v9 =	vld [tilespmem:s14+$0xFFFFFFB0]  }
0x42: {  	vm0 =	veq.f32 v10, v5;
	vm1 =	veq.f32 v13, v5;
	v8 =	vmax.f32 v6, v12;
	v10 =	vld [tilespmem:s14+$0x30]  }
0x43: {  	vm2 =	veq.f32 v7, v5;
	v5 =	vsel vm1, $0x40A00000, v0;
	v7 =	vld [tilespmem:s14+$0xB0]  }
0x44: {  	v5 =	vsel vm0, $0x40400000, v5;
	v13 =	vmax.f32 v11, v14;
	v14 =	vld [tilespmem:s14+$0xFFFFFF40]  }
0x45: {  	v5 =	vsel vm2, $0x40000000, v5;
	v8 =	vmax.f32 v8, v13;
	v13 =	vld [tilespmem:s14+$0xFFFFFFC0]  }
0x46: {  	[tilespmem:s11+$0xFFFFFFD0] =	vst v5;
	vm0 =	veq.f32 v12, v8;
	vm1 =	veq.f32 v11, v8;
	v5 =	vmax.f32 v15, v9;
	v11 =	vld [tilespmem:s14+$0x40]  }
0x47: {  	vm2 =	veq.f32 v6, v8;
	[tilespmem:s12+$0xFFFFFFD0] =	vst v1;
	v6 =	vsel vm1, $0x40A00000, v0;
	v12 =	vld [tilespmem:s14+$0xC0]  }
0x48: {  	v8 =	vsel vm0, $0x40400000, v6;
	v7 =	vmax.f32 v10, v7;
	v6 =	vld [tilespmem:s14+$0xFFFFFF50]  }
0x49: {  	v16 =	vsel vm2, $0x40000000, v8;
	v5 =	vmax.f32 v5, v7;
	v8 =	vld [tilespmem:s14+$0xFFFFFFD0]  }
0x4a: {  	[tilespmem:s11+$0xFFFFFFE0] =	vst v16;
	vm0 =	veq.f32 v9, v5;
	vm1 =	veq.f32 v10, v5;
	v7 =	vmax.f32 v14, v13;
	v9 =	vld [tilespmem:s14+$0x50]  }
0x4b: {  	vm2 =	veq.f32 v15, v5;
	[tilespmem:s12+$0xFFFFFFE0] =	vst v1;
	v5 =	vsel vm1, $0x40A00000, v0;
	v15 =	vld [tilespmem:s14+$0xD0]  }
.Ltmp1:
0x4c: {  	v10 =	vsel vm0, $0x40400000, v5;
	v12 =	vmax.f32 v11, v12;
	v5 =	vld [tilespmem:s14+$0xFFFFFF60];
	(pc) =	sbr.rel @p0 .LBB2_2-.Ltmp1, $4  }
0x4d: {  	v10 =	vsel vm2, $0x40000000, v10;
	v12 =	vmax.f32 v7, v12;
	v7 =	vld [tilespmem:s14+$0xFFFFFFE0]  }
0x4e: {  	[tilespmem:s11+$0xFFFFFFF0] =	vst v10;
	vm1 =	veq.f32 v13, v12;
	vm2 =	veq.f32 v11, v12;
	v13 =	vmax.f32 v6, v8;
	v10 =	vld [tilespmem:s14+$0x60]  }
0x4f: {  	vm0 =	veq.f32 v14, v12;
	[tilespmem:s12+$0xFFFFFFF0] =	vst v1;
	v14 =	vsel vm2, $0x40A00000, v0;
	v12 =	vld [tilespmem:s14+$0xE0]  }
0x50: {  	v11 =	vld [tilespmem:s14+$0xFFFFFF00];
	v14 =	vsel vm1, $0x40400000, v14;
	v15 =	vmax.f32 v9, v15;
	s14 =	sadd.s32 $0x200, s14  }
0x51: {  	_ =	sdelay $0x1  }
0x52: {  	v13 =	vmax.f32 v13, v15  }
0x53: {  	v14 =	vsel vm0, $0x40000000, v14;
	vm9 =	veq.f32 v8, v13;
	vm1 =	veq.f32 v9, v13  }
0x54: {  	v60 =	vmax.f32 v5, v7;
	v9 =	vsel vm1, $0x40A00000, v0;
	v61 =	vmax.f32 v11, v2  }
0x55: {  	vm10 =	veq.f32 v6, v13;
	v62 =	vsel vm9, $0x40400000, v9;
	v4 =	vmax.f32 v61, v4  }
0x56: {  	[tilespmem:s11+$0x0] =	vst v14;
	v63 =	vmax.f32 v10, v12;
	v6 =	vsel vm10, $0x40000000, v62;
	vm11 =	veq.f32 v3, v4  }
0x57: {  	[tilespmem:s12+$0x0] =	vst v1;
	v3 =	vmax.f32 v60, v63;
	vm12 =	veq.f32 v2, v4;
	v2 =	vsel vm11, $0x40A00000, v0  }
0x58: {  	[tilespmem:s11+$0x10] =	vst v6;
	vm2 =	veq.f32 v11, v4;
	vm13 =	veq.f32 v10, v3;
	v2 =	vsel vm12, $0x40400000, v2  }
0x59: {  	[tilespmem:s12+$0x10] =	vst v1;
	vm14 =	veq.f32 v7, v3;
	v0 =	vsel vm13, $0x40A00000, v0;
	v2 =	vsel vm2, $0x40000000, v2  }
0x5a: {  	vm15 =	veq.f32 v5, v3;
	v0 =	vsel vm14, $0x40400000, v0;
	[tilespmem:s11+$0xFFFFFFC0] =	vst v2  }
0x5b: {  	v0 =	vsel vm15, $0x40000000, v0;
	[tilespmem:s12+$0xFFFFFFC0] =	vst v1  }
0x5c: {  	[tilespmem:s11+$0x20] =	vst v0  }
0x5d: {  	v0 =	vimm.f32 $0.0e+00;
	s11 =	simm.s32 $0x40;
	[tilespmem:s12+$0x20] =	vst v1;
	v1 =	vimm.s32 $0xFFFFFFFF;
	s12 =	simm.s32 $0x0  }
.LBB2_4:
0x5e: {  	p0 =	sne.s32 s11, $0xC0;
	[tilespmem:s12+$0x16000] =	vst v0;
	s13 =	smov.u32 s11;
	s11 =	sadd.s32 $0x40, s11  }
.Ltmp2:
0x5f: {  	[tilespmem:s12+$0x16080] =	vst v1;
	(pc) =	sbr.rel @p0 .LBB2_4-.Ltmp2, $2  }
0x60: {  	_ =	sdelay $0x2  }
0x61: {  	s12 =	sshra.s32 s13, $0x2  }
0x62: {  	[tilespmem:s12+$0x16000] =	vst v0  }
0x63: {  	[tilespmem:s12+$0x16080] =	vst v1;
	s11 =	simm.s32 $0x1  }
0x64: {  	s12 =	simm.s32 $0x10000;
	s13 =	simm.s32 $0x2;
	_ =	swait.ge [sflag:s11], $0x10000  }
0x65: {  	s14 =	simm.s32 $0x15000;
	s15 =	simm.s32 $0x0;
	[sflag:s11] =	ssyncset.done $0x0  }
0x66: {  	v0 =	vlaneseq.u32;
	s16 =	simm.s32 $0x0;
	[sflag:s11] =	ssyncadd.s32 $0xFFFF0000;
	s11 =	simm.s32 $0x0  }
.LBB2_6:
0x67: {  	s17 =	sshll.u32 s16, $0x4  }
0x68: {  	s18 =	sadd.s32 s5, s17  }
0x69: {  	s18 =	sshll.u32 s18, $0x7  }
0x6a: {  	s18 =	sadd.s32 s10, s18  }
0x6b: {  	[tilespmem:s12], [sflag:$0x2] =	stream.linear.gather [hbm4b:s18+s11], $0x4000, $0x38;
	[tilespmem:$0x16180] =	vst v63  }
0x6c: {  	_ =	swait.ge [sflag:s13], $0x4000  }
0x6d: {  	s19 =	simm.s32 $0x0;
	s20 =	simm.s32 $0x0;
	[sflag:s13] =	ssyncset.done $0x0  }
0x6e: {  	s21 =	simm.s32 $0x0;
	s18 =	smov.u32 s15;
	[sflag:s13] =	ssyncadd.s32 $0xFFFFC000  }
.LBB2_7:
0x6f: {  	s22 =	sor.u32 s17, s21;
	s0 =	sshll.u32 s19, $0x9  }
0x70: {  	s23 =	sshll.u32 s18, $0x2;
	s25 =	simm.s32 $0x15040;
	s22 =	sor.u32 s5, s22  }
0x71: {  	s24 =	sshll.u32 s20, $0x2;
	s23 =	sand.u32 $0xFFFF8000, s23;
	v3 =	vld [tilespmem:s25+$0x30];
	v1 =	vmov s22;
	s22 =	sand.u32 $0xE00, s0  }
0x72: {  	s24 =	sand.u32 $0xFFFF8000, s24;
	v4 =	vld [tilespmem:s25+$0xFFFFFFC0];
	s23 =	sor.u32 s22, s23  }
0x73: {  	v5 =	vld [tilespmem:s25+$0xFFFFFFD0];
	s22 =	sor.u32 s22, s24;
	s23 =	sshrl.u32 s23, $0x2  }
0x74: {  	v6 =	vld [tilespmem:s25+$0xFFFFFFE0];
	s24 =	sshrl.u32 s22, $0x2;
	s22 =	sor.u32 $0x40, s23  }
0x75: {  	s26 =	simm.s32 $0x10;
	s23 =	sadd.s32 $0x10040, s24;
	v7 =	vld [tilespmem:s22+$0x30]  }
0x76: {  	s30 =	simm.s32 $0x50;
	s31 =	simm.s32 $0x60;
	v10 =	vor.u32 s26, v0;
	s24 =	simm.s32 $0x70;
	v9 =	vld [tilespmem:s23+$0x30]  }
0x77: {  	v15 =	vor.u32 s30, v0;
	v17 =	vor.u32 s31, v0;
	v8 =	vor.u32 s24, v0;
	v2 =	vld.idx.msk [tilespmem:v1+s14+$0x0], $0xffff  }
0x78: {  	v11 =	vld [tilespmem:s25+$0xFFFFFFF0];
	v20 =	vsub.s32 v10, v1;
	v24 =	vsub.s32 v15, v1;
	v8 =	vsub.s32 v8, v1  }
0x79: {  	v12 =	vld [tilespmem:s25+$0x0];
	v17 =	vsub.s32 v17, v1;
	v15 =	vsub.s32 $0x0, v24;
	v13 =	vsub.s32 $0x0, v8  }
0x7a: {  	s29 =	simm.s32 $0x40;
	v14 =	vld [tilespmem:s25+$0x10];
	v25 =	vsub.s32 $0x0, v17;
	vm2 =	vgt.s32 v8, $0x4;
	v13 =	vmin.u32 v8, v13  }
0x7b: {  	s1 =	simm.s32 $0x20;
	vm3 =	vgt.s32 v13, $0x4;
	v13 =	vor.u32 s29, v0;
	v7 =	vsel vm2, v7, v9  }
0x7c: {  	v9 =	vor.u32 s1, v0;
	v3 =	vmul.f32 v3, v2;
	v4 =	vmul.f32 v4, v2  }
0x7d: {  	s28 =	simm.s32 $0x30;
	v23 =	vsub.s32 v13, v1;
	v5 =	vmul.f32 v5, v2;
	v6 =	vmul.f32 v6, v2  }
0x7e: {  	v8 =	vmul.f32 v11, v2;
	v11 =	vmul.f32 v12, v2;
	v12 =	vor.u32 s28, v0  }
0x7f: {  	v14 =	vmul.f32 v14, v2;
	v21 =	vsub.s32 v9, v1;
	v9 =	vsub.s32 $0x0, v20  }
0x80: {  	v10 =	vsub.s32 $0x0, v21;
	vm0 =	veq.f32 v3, $1.400000000e+01;
	vm1 =	veq.f32 v3, $1.500000000e+01  }
0x81: {  	vm2 =	veq.f32 v5, $1.400000000e+01;
	vm4 =	veq.f32 v6, $1.400000000e+01;
	vm5 =	veq.f32 v6, $1.500000000e+01  }
0x82: {  	vm6 =	veq.f32 v8, $1.400000000e+01;
	vm7 =	veq.f32 v8, $1.500000000e+01;
	vm8 =	veq.f32 v11, $1.400000000e+01  }
0x83: {  	vm9 =	veq.f32 v11, $1.500000000e+01;
	vm0 =	vmor vm0, vm1;
	vm1 =	veq.f32 v3, $3.500000000e+01  }
0x84: {  	vm10 =	veq.f32 v14, $1.400000000e+01;
	vm11 =	veq.f32 v14, $1.500000000e+01;
	v3 =	vld [tilespmem:s25+$0x20];
	vm0 =	vmor vm1, vm0  }
0x85: {  	s2 =	simm.s32 $0x0;
	vm15 =	vmor vm10, vm11;
	vm10 =	veq.f32 v8, $3.500000000e+01;
	vm0 =	vmand vm3, vm0  }
0x86: {  	vm1 =	veq.f32 v4, $1.500000000e+01;
	v16 =	vnsel vm0, $0x0, v7;
	v7 =	vor.u32 s2, v0  }
0x87: {  	vm3 =	veq.f32 v5, $1.500000000e+01;
	vm0 =	veq.f32 v4, $1.400000000e+01;
	v19 =	vsub.s32 v7, v1  }
0x88: {  	vm0 =	vmor vm0, vm1;
	vm1 =	vmor vm2, vm3;
	vm2 =	vmor vm4, vm5  }
0x89: {  	v8 =	vld [tilespmem:s23+$0xFFFFFFE0];
	vm3 =	vmor vm6, vm7;
	vm4 =	vmor vm8, vm9;
	v18 =	vmul.f32 v3, v2  }
0x8a: {  	vm5 =	veq.f32 v4, $3.500000000e+01;
	v4 =	vld [tilespmem:s23+$0xFFFFFFC0];
	vm8 =	veq.f32 v5, $3.500000000e+01;
	vm9 =	veq.f32 v6, $3.500000000e+01  }
0x8b: {  	v5 =	vld [tilespmem:s22+$0xFFFFFFD0];
	v7 =	vsub.s32 $0x0, v19;
	vm12 =	veq.f32 v18, $1.400000000e+01;
	vm13 =	veq.f32 v18, $1.500000000e+01  }
0x8c: {  	v6 =	vld [tilespmem:s23+$0xFFFFFFD0];
	vm6 =	vmor vm5, vm0;
	vm0 =	vmor vm9, vm2;
	vm7 =	vmor vm12, vm13  }
0x8d: {  	v3 =	vld [tilespmem:s22+$0xFFFFFFC0];
	vm13 =	veq.f32 v18, $3.500000000e+01;
	v18 =	vmin.u32 v21, v10;
	v10 =	vimm.s32 $0x0  }
0x8e: {  	vm11 =	veq.f32 v11, $3.500000000e+01;
	v11 =	vmin.u32 v19, v7;
	v7 =	vld [tilespmem:s22+$0xFFFFFFE0];
	v10 =	vsel vm0, $0xFFFFFFFF, v10  }
0x8f: {  	vm12 =	veq.f32 v14, $3.500000000e+01;
	v14 =	vmin.u32 v20, v9;
	v9 =	vld [tilespmem:s22+$0xFFFFFFF0];
	vm0 =	vmor vm11, vm4;
	[tilespmem:$0x1FFE0] =	vst v10  }
0x90: {  	vm4 =	vgt.s32 v11, $0x4;
	vm11 =	vgt.s32 v18, $0x4;
	v10 =	vimm.s32 $0x0;
	v18 =	vld [tilespmem:$0x1FFE0]  }
0x91: {  	v11 =	vimm.s32 $0x0;
	v10 =	vsel vm0, $0xFFFFFFFF, v10;
	vm0 =	vmor vm13, vm7  }
0x92: {  	v13 =	vsub.s32 $0x0, v23;
	v22 =	vsub.s32 v12, v1;
	[tilespmem:$0x1FFF0] =	vst v10;
	v11 =	vsel vm0, $0xFFFFFFFF, v11  }
0x93: {  	v15 =	vmin.u32 v24, v15;
	v13 =	vmin.u32 v23, v13;
	v12 =	vsub.s32 $0x0, v22;
	v10 =	vld [tilespmem:s23+$0xFFFFFFF0];
	[tilespmem:$0x1FFD0] =	vst v11  }
0x94: {  	v25 =	vmin.u32 v17, v25;
	vm14 =	vgt.s32 v13, $0x4;
	v12 =	vmin.u32 v22, v12;
	[tilespmem:s22+$0x30] =	vst v16  }
0x95: {  	vm8 =	vmor vm8, vm1;
	vm10 =	vmor vm10, vm3;
	vm0 =	vnez.u8 v18;
	v18 =	vld [tilespmem:$0x1FFF0]  }
0x96: {  	vm5 =	vgt.s32 v12, $0x4;
	vm3 =	vgt.s32 v15, $0x4;
	vm2 =	vgt.s32 v25, $0x4;
	v11 =	vld [tilespmem:s22+$0x0]  }
0x97: {  	vm9 =	vgt.s32 v20, $0x4;
	vm1 =	vmor vm12, vm15;
	vm15 =	vgt.s32 v19, $0x4;
	v12 =	vld [tilespmem:s23+$0x0]  }
0x98: {  	vm12 =	vgt.s32 v21, $0x4;
	vm6 =	vmand vm4, vm6;
	vm4 =	vmand vm5, vm10;
	v13 =	vld [tilespmem:s22+$0x10]  }
0x99: {  	vm10 =	vgt.s32 v24, $0x4;
	vm7 =	vgt.s32 v14, $0x4;
	vm13 =	vgt.s32 v22, $0x4;
	v14 =	vld [tilespmem:s23+$0x10]  }
0x9a: {  	vm7 =	vmand vm7, vm8;
	v15 =	vld [tilespmem:s22+$0x20];
	vm11 =	vmand vm11, vm0;
	vm0 =	vnez.u8 v18  }
0x9b: {  	s26 =	simm.s32 $0x0;
	s28 =	simm.s32 $0x150C0;
	s25 =	smov.u32 s22;
	vm8 =	vgt.s32 v23, $0x4;
	v16 =	vld [tilespmem:s23+$0x20];
	vm5 =	vmand vm14, vm0;
	vm14 =	vgt.s32 v17, $0x4  }
.LBB2_8:
0x9c: {  	v18 =	vld [tilespmem:s28+$0x10]  }
0x9d: {  	v17 =	vld [tilespmem:s28+$0x30];
	vm1 =	vmand vm3, vm1  }
0x9e: {  	v61 =	vimm.s32 $0x0;
	v62 =	vimm.s32 $0x0;
	v3 =	vsel vm15, v3, v4;
	v4 =	vld [tilespmem:$0x1FFD0]  }
0x9f: {  	v63 =	vimm.s32 $0x0;
	v5 =	vsel vm9, v5, v6;
	v6 =	vsel vm12, v7, v8  }
0xa0: {  	v7 =	vsel vm13, v9, v10;
	v8 =	vld [tilespmem:s28+$0xFFFFFFD0];
	v9 =	vsel vm8, v11, v12;
	v10 =	vsel vm10, v13, v14  }
0xa1: {  	v11 =	vsel vm14, v15, v16;
	v12 =	vld [tilespmem:s28+$0xFFFFFFE0];
	v3 =	vnsel vm6, $0x0, v3;
	v18 =	vmul.f32 v18, v2  }
0xa2: {  	v16 =	vld [tilespmem:s28+$0xFFFFFFF0];
	v5 =	vnsel vm7, $0x0, v5;
	v6 =	vnsel vm11, $0x0, v6;
	v15 =	vmul.f32 v17, v2  }
0xa3: {  	[tilespmem:s25+$0xFFFFFFE0] =	vst v6;
	v6 =	vld [tilespmem:s28+$0x0];
	vm10 =	veq.f32 v18, $1.400000000e+01;
	vm11 =	veq.f32 v18, $1.500000000e+01;
	vm0 =	vnez.u8 v4  }
0xa4: {  	s24 =	sadd.s32 $0x80, s24;
	v4 =	vld [tilespmem:s28+$0xFFFFFFC0];
	[tilespmem:s25+$0xFFFFFFC0] =	vst v3;
	v3 =	vnsel vm4, $0x0, v7;
	v7 =	vnsel vm5, $0x0, v9;
	v9 =	vnsel vm1, $0x0, v10  }
0xa5: {  	s1 =	sadd.s32 $0xFFFFFF90, s24;
	v10 =	vor.u32 s24, v0;
	vm1 =	veq.f32 v15, $1.500000000e+01;
	v19 =	vmul.f32 v8, v2  }
0xa6: {  	s22 =	sadd.s32 $0x400, s22;
	v20 =	vmul.f32 v12, v2;
	v8 =	vor.u32 s1, v0;
	vm0 =	vmand vm2, vm0  }
0xa7: {  	s23 =	sadd.s32 $0x400, s23;
	v13 =	vld [tilespmem:s22+$0x30];
	[tilespmem:s25+$0xFFFFFFD0] =	vst v5;
	v21 =	vmul.f32 v16, v2;
	v24 =	vsub.s32 v8, v1;
	v5 =	vnsel vm0, $0x0, v11  }
0xa8: {  	v14 =	vld [tilespmem:s23+$0x30];
	vm0 =	veq.f32 v15, $1.400000000e+01;
	v22 =	vmul.f32 v6, v2;
	vm4 =	veq.f32 v20, $1.400000000e+01  }
0xa9: {  	vm5 =	veq.f32 v20, $1.500000000e+01;
	vm6 =	veq.f32 v21, $1.400000000e+01;
	vm7 =	veq.f32 v21, $1.500000000e+01  }
0xaa: {  	v31 =	vsub.s32 $0x0, v24;
	v17 =	vmul.f32 v4, v2;
	v4 =	vsub.s32 v10, v1  }
0xab: {  	vm0 =	vmor vm0, vm1;
	vm1 =	veq.f32 v15, $3.500000000e+01;
	v10 =	vsub.s32 $0x0, v4  }
0xac: {  	[tilespmem:s25+$0xFFFFFFF0] =	vst v3;
	vm0 =	vmor vm1, vm0;
	vm2 =	vgt.s32 v4, $0x4;
	v3 =	vmin.u32 v4, v10  }
0xad: {  	[tilespmem:s25+$0x0] =	vst v7;
	vm8 =	veq.f32 v22, $1.400000000e+01;
	v7 =	vsel vm2, v13, v14;
	vm3 =	vgt.s32 v3, $0x4  }
0xae: {  	v10 =	vld [tilespmem:s28+$0x20];
	vm1 =	veq.f32 v17, $1.500000000e+01;
	vm2 =	veq.f32 v19, $1.400000000e+01;
	vm0 =	vmand vm3, vm0  }
0xaf: {  	vm3 =	veq.f32 v19, $1.500000000e+01;
	v7 =	vnsel vm0, $0x0, v7;
	vm0 =	veq.f32 v17, $1.400000000e+01  }
0xb0: {  	vm9 =	veq.f32 v22, $1.500000000e+01;
	vm0 =	vmor vm0, vm1;
	vm1 =	vmor vm2, vm3  }
0xb1: {  	vm2 =	vmor vm4, vm5;
	vm3 =	vmor vm6, vm7;
	vm4 =	vmor vm8, vm9  }
0xb2: {  	vm5 =	veq.f32 v17, $3.500000000e+01;
	vm6 =	vmor vm10, vm11;
	vm9 =	veq.f32 v20, $3.500000000e+01  }
0xb3: {  	vm10 =	veq.f32 v21, $3.500000000e+01;
	vm11 =	veq.f32 v22, $3.500000000e+01;
	v23 =	vmul.f32 v10, v2  }
0xb4: {  	v17 =	vmin.u32 v24, v31;
	vm5 =	vmor vm5, vm0;
	vm0 =	vmor vm9, vm2  }
0xb5: {  	v31 =	vsel vm0, $0xFFFFFFFF, v61;
	vm0 =	vmor vm10, vm3;
	vm12 =	veq.f32 v23, $1.400000000e+01  }
0xb6: {  	vm13 =	veq.f32 v23, $1.500000000e+01;
	[tilespmem:$0x1FF90] =	vst v31;
	v31 =	vsel vm0, $0xFFFFFFFF, v62;
	vm0 =	vmor vm11, vm4  }
0xb7: {  	vm4 =	vgt.s32 v17, $0x4;
	vm7 =	vmor vm12, vm13;
	vm12 =	veq.f32 v18, $3.500000000e+01  }
0xb8: {  	v17 =	vimm.s32 $0x0;
	[tilespmem:$0x1FFA0] =	vst v31;
	v31 =	vsel vm0, $0xFFFFFFFF, v63;
	vm0 =	vmor vm12, vm6  }
0xb9: {  	vm13 =	veq.f32 v23, $3.500000000e+01;
	v17 =	vsel vm0, $0xFFFFFFFF, v17  }
0xba: {  	vm0 =	vmor vm13, vm7;
	[tilespmem:$0x1FFC0] =	vst v17;
	v17 =	vimm.s32 $0x0  }
0xbb: {  	v17 =	vsel vm0, $0xFFFFFFFF, v17  }
0xbc: {  	[tilespmem:$0x1FFD0] =	vst v17;
	v17 =	vld [tilespmem:$0x1FF90];
	_ =	sdelay $0x2  }
0xbd: {  	s31 =	sadd.s32 $0xFFFFFFC0, s24  }
0xbe: {  	s30 =	sadd.s32 $0xFFFFFFB0, s24;
	v12 =	vor.u32 s31, v0;
	v8 =	vld [tilespmem:s23+$0xFFFFFFE0]  }
0xbf: {  	[tilespmem:s25+$0x10] =	vst v9;
	v9 =	vor.u32 s30, v0;
	vm6 =	vmand vm4, vm5;
	vm4 =	vnez.u8 v17;
	v17 =	vld [tilespmem:$0x1FFA0]  }
0xc0: {  	s29 =	sadd.s32 $0xFFFFFFA0, s24;
	v27 =	vsub.s32 v12, v1;
	v6 =	vld [tilespmem:s23+$0xFFFFFFD0];
	v26 =	vsub.s32 v9, v1  }
0xc1: {  	v11 =	vor.u32 s29, v0;
	v9 =	vld [tilespmem:s22+$0xFFFFFFF0];
	v34 =	vsub.s32 $0x0, v27;
	v33 =	vsub.s32 $0x0, v26  }
0xc2: {  	s2 =	sadd.s32 $0xFFFFFFF0, s24;
	v12 =	vld [tilespmem:s23+$0x0];
	vm15 =	vgt.s32 v24, $0x4;
	vm8 =	veq.f32 v19, $3.500000000e+01;
	v19 =	vmin.u32 v26, v33  }
0xc3: {  	v15 =	vor.u32 s2, v0;
	v25 =	vsub.s32 v11, v1;
	v11 =	vld [tilespmem:s22+$0x0];
	vm11 =	vgt.s32 v19, $0x4;
	[tilespmem:$0x1FFB0] =	vst v31  }
0xc4: {  	s29 =	sadd.s32 $0xFFFFFFD0, s24;
	v57 =	vmin.u32 v27, v34;
	vm11 =	vmand vm11, vm4;
	vm4 =	vnez.u8 v17;
	v17 =	vld [tilespmem:$0x1FFB0]  }
0xc5: {  	s0 =	sadd.s32 $0xFFFFFFE0, s24;
	v30 =	vsub.s32 v15, v1;
	v32 =	vsub.s32 $0x0, v25;
	v4 =	vld [tilespmem:s23+$0xFFFFFFC0];
	v13 =	vor.u32 s29, v0  }
0xc6: {  	v37 =	vsub.s32 $0x0, v30;
	[tilespmem:s25+$0x20] =	vst v5;
	v5 =	vld [tilespmem:s22+$0xFFFFFFD0];
	v14 =	vor.u32 s0, v0;
	v28 =	vsub.s32 v13, v1  }
0xc7: {  	v60 =	vmin.u32 v30, v37;
	v3 =	vld [tilespmem:s22+$0xFFFFFFC0];
	v29 =	vsub.s32 v14, v1;
	v35 =	vsub.s32 $0x0, v28  }
0xc8: {  	s26 =	sadd.s32 $0x8, s26;
	v13 =	vld [tilespmem:s22+$0x10];
	v36 =	vsub.s32 $0x0, v29;
	v58 =	vmin.u32 v28, v35;
	vm0 =	vgt.s32 v57, $0x4  }
0xc9: {  	p0 =	slt.u32 s26, $0x38;
	v59 =	vmin.u32 v29, v36;
	vm4 =	vmand vm0, vm4;
	vm0 =	vnez.u8 v17;
	v17 =	vld [tilespmem:$0x1FFC0]  }
.Ltmp3:
0xca: {  	v14 =	vld [tilespmem:s23+$0x10];
	vm14 =	vmor vm8, vm1;
	vm1 =	vgt.s32 v58, $0x4;
	vm2 =	vgt.s32 v60, $0x4;
	(pc) =	sbr.rel @p0 .LBB2_8-.Ltmp3, $4  }
0xcb: {  	v15 =	vld [tilespmem:s22+$0x20];
	vm9 =	vgt.s32 v25, $0x4;
	vm8 =	vgt.s32 v28, $0x4;
	v18 =	vmin.u32 v25, v32  }
0xcc: {  	v16 =	vld [tilespmem:s23+$0x20];
	vm3 =	vgt.s32 v59, $0x4;
	vm10 =	vgt.s32 v29, $0x4;
	vm7 =	vgt.s32 v18, $0x4  }
0xcd: {  	[tilespmem:s22+$0x30] =	vst v7;
	v7 =	vld [tilespmem:s22+$0xFFFFFFE0];
	vm12 =	vgt.s32 v26, $0x4;
	vm13 =	vgt.s32 v27, $0x4;
	vm7 =	vmand vm7, vm14  }
0xce: {  	s25 =	smov.u32 s22;
	s28 =	sadd.s32 $0x80, s28;
	v10 =	vld [tilespmem:s23+$0xFFFFFFF0];
	vm14 =	vgt.s32 v30, $0x4;
	vm5 =	vmand vm1, vm0;
	vm1 =	vnez.u8 v17  }
0xcf: {  	_ = 	snop  }
0xd0: {  	v1 =	vsel vm15, v3, v4  }
0xd1: {  	v2 =	vsel vm9, v5, v6;
	v1 =	vnsel vm6, $0x0, v1  }
0xd2: {  	v2 =	vnsel vm7, $0x0, v2;
	[tilespmem:s25+$0xFFFFFFC0] =	vst v1;
	v3 =	vsel vm12, v7, v8  }
0xd3: {  	[tilespmem:s25+$0xFFFFFFD0] =	vst v2;
	v1 =	vsel vm13, v9, v10;
	v3 =	vnsel vm11, $0x0, v3  }
0xd4: {  	v1 =	vnsel vm4, $0x0, v1;
	[tilespmem:s25+$0xFFFFFFE0] =	vst v3  }
0xd5: {  	[tilespmem:s25+$0xFFFFFFF0] =	vst v1  }
0xd6: {  	v1 =	vld [tilespmem:$0x1FFD0];
	_ =	sdelay $0x1  }
0xd7: {  	s21 =	sadd.s32 $0x1, s21  }
0xd8: {  	p0 =	sne.s32 s21, $0x10  }
.Ltmp4:
0xd9: {  	vm0 =	vmand vm3, vm1;
	v2 =	vsel vm8, v11, v12;
	(pc) =	sbr.rel @p0 .LBB2_7-.Ltmp4, $4  }
0xda: {  	v2 =	vnsel vm5, $0x0, v2;
	v3 =	vsel vm10, v13, v14;
	vm15 =	vnez.u8 v1  }
0xdb: {  	v3 =	vnsel vm0, $0x0, v3;
	[tilespmem:s25+$0x0] =	vst v2;
	v1 =	vsel vm14, v15, v16;
	vm1 =	vmand vm2, vm15  }
0xdc: {  	[tilespmem:s25+$0x10] =	vst v3;
	v1 =	vnsel vm1, $0x0, v1  }
0xdd: {  	s20 =	sadd.s32 $0x400, s20;
	s19 =	sadd.s32 $0x1, s19;
	s18 =	sadd.s32 $0x400, s18;
	[tilespmem:s25+$0x20] =	vst v1  }
0xde: {  	s16 =	sadd.s32 $0x1, s16  }
0xdf: {  	p0 =	sne.s32 s16, $0x4  }
.Ltmp5:
0xe0: {  	_ = 	snop;
	(pc) =	sbr.rel @p0 .LBB2_6-.Ltmp5, $2  }
0xe1: {  	_ =	sdelay $0x2  }
0xe2: {  	s15 =	sadd.s32 $0x4000, s15  }
0xe3: {  	v2 =	vmov s7  }
0xe4: {  	s14 =	simm.s32 $0x0;
	s10 =	simm.s32 $0x15400;
	v3 =	vmov s9  }
0xe5: {  	v0 =	vlaneseq.u32;
	s11 =	simm.s32 $0x1;
	s12 =	simm.s32 $0x15800;
	s13 =	simm.s32 $0x15C00;
	v1 =	vmov s5  }
.LBB2_12:
.Ltmp6:
0xe6: {  	(pc) =	sbr.rel .LBB2_13-.Ltmp6, $3  }
0xe7: {  	_ =	sdelay $0x1  }
0xe8: {  	s15 =	sshll.u32 s14, $0x4  }
0xe9: {  	s16 =	sshll.u32 s14, $0xE;
	v5 =	vimm.f32 $-1.000000020e+30;
	v4 =	vimm.s32 $0xFFFFFFFF;
	s17 =	simm.s32 $0x0;
	v6 =	vimm.f32 $-1.000000020e+30;
	s18 =	simm.s32 $0x0  }
.LBB2_14:
0xea: {  	s20 =	simm.s32 $0xFFFFFFFF;
	s19 =	simm.f32 $-1.000000020e+30  }
.LBB2_25:
0xeb: {  	v7 =	vmov s18;
	s18 =	sadd.s32 $0x1, s18  }
0xec: {  	p0 =	sne.s32 s18, $0x10  }
.Ltmp7:
0xed: {  	_ = 	snop;
	(pc) =	sbr.rel @!p0 .LBB2_26-.Ltmp7, $3  }
0xee: {  	_ =	sdelay $0x1  }
0xef: {  	vm0 =	veq.s32 v7, v0  }
0xf0: {  	s16 =	sadd.s32 $0x400, s16;
	s17 =	sadd.s32 $0x1, s17;
	v6 =	vsel vm0, s19, v6;
	v4 =	vsel vm0, s20, v4  }
.LBB2_13:
0xf1: {  	s0 =	sadd.s32 s15, s18  }
0xf2: {  	s0 =	sor.u32 s5, s0  }
0xf3: {  	v7 =	vmov s0;
	_ =	sdelay $0x4  }
0xf4: {  	v7 =	vld.idx.msk [tilespmem:v7+s10+$0x0], $0xffff;
	_ =	sdelay $0x4  }
0xf5: {  	(xrf0) =	vmax.scan.msk.f32 $0xffff, v7;
	_ =	sdelay $0x5  }
0xf6: {  	v7, _, _ =	vpop (xrf0)  }
0xf7: {  	(v2sf) =	vpush v7, $0xF;
	_ =	sdelay $0xe  }
0xf8: {  	s31 =	spop (v2sf)  }
0xf9: {  	p0 =	sgt.f32 s31, $0.0e+00  }
.Ltmp8:
0xfa: {  	_ = 	snop;
	(pc) =	sbr.rel @!p0 .LBB2_14-.Ltmp8, $1  }
0xfb: {  	_ =	sdelay $0x3  }
0xfc: {  	s30 =	simm.s32 $0x15440  }
0xfd: {  	v7 =	vld [tilespmem:s30+$0xFFFFFFD0]  }
0xfe: {  	s0 =	sshll.u32 s16, $0x2;
	s1 =	sand.u32 $0x7, s17;
	v10 =	vld [tilespmem:s30+$0xFFFFFFF0]  }
0xff: {  	s0 =	sand.u32 $0x38000, s0;
	s1 =	sshll.u32 s1, $0x9;
	v14 =	vld [tilespmem:s30+$0xFFFFFFE0]  }
0x100: {  	v16 =	vld [tilespmem:s30+$0xFFFFFFC0];
	s0 =	sor.u32 s1, s0  }
0x101: {  	v19 =	vld [tilespmem:s30+$0x0];
	s0 =	sshrl.u32 s0, $0x2  }
0x102: {  	v22 =	vld [tilespmem:s30+$0x10];
	s0 =	sor.u32 $0x40, s0  }
0x103: {  	v9 =	vld [tilespmem:s0+$0xFFFFFFF0]  }
0x104: {  	v11 =	vld [tilespmem:s0+$0xFFFFFFD0]  }
0x105: {  	v12 =	vld [tilespmem:s0+$0xFFFFFFE0]  }
0x106: {  	s19 =	simm.s32 $0x0;
	v15 =	vld [tilespmem:s0+$0xFFFFFFC0]  }
0x107: {  	v13 =	vimm.s32 $0x400;
	s20 =	simm.s32 $0x70;
	v18 =	vor.u32 s19, v0;
	v20 =	vld [tilespmem:s30+$0x30]  }
0x108: {  	v8 =	vld [tilespmem:s0+$0x0];
	vm0 =	vgt.f32 v7, $0.0e+00;
	vm1 =	vgt.f32 v10, $0.0e+00;
	v7 =	vor.u32 s20, v0  }
0x109: {  	s2 =	simm.s32 $0x10;
	v17 =	vld [tilespmem:s0+$0x10];
	vm2 =	vgt.f32 v22, $0.0e+00;
	v11 =	vnsel vm0, $0xF149F2CA, v11;
	vm0 =	vgt.f32 v14, $0.0e+00  }
0x10a: {  	s31 =	simm.s32 $0x50;
	s21 =	simm.s32 $0x30;
	v14 =	vor.u32 s2, v0;
	v10 =	vnsel vm1, $0xF149F2CA, v9;
	v9 =	vld [tilespmem:s0+$0x30];
	vm1 =	vgt.f32 v16, $0.0e+00  }
0x10b: {  	s22 =	simm.s32 $0x0;
	s26 =	simm.s32 $0x40;
	s24 =	simm.s32 $0x80;
	v16 =	vnsel vm0, $0xF149F2CA, v12;
	v21 =	vnsel vm1, $0xF149F2CA, v15;
	vm1 =	vgt.f32 v19, $0.0e+00;
	v15 =	vld [tilespmem:s0+$0x20]  }
0x10c: {  	s25 =	simm.s32 $0x154C0;
	s23 =	sadd.s32 $0x400, s0;
	s20 =	simm.s32 $0x20;
	v12 =	vor.u32 s31, v0;
	v19 =	vld [tilespmem:s30+$0x20];
	vm0 =	vgt.f32 v21, v5;
	v21 =	vmax.f32 v21, v5  }
.LBB2_23:
0x10d: {  	v22 =	vld [tilespmem:s25+$0xFFFFFFD0];
	s0 =	sadd.s32 $0x20, s24;
	s1 =	sadd.s32 $0x30, s24;
	s22 =	sadd.s32 $0x8, s22;
	v23 =	vmax.f32 v11, v21;
	v24 =	vor.u32 s26, v0;
	v25 =	vnsel vm1, $0xF149F2CA, v8  }
0x10e: {  	v26 =	vor.u32 s20, v0;
	v27 =	vor.u32 s21, v0;
	v17 =	vnsel vm2, $0xF149F2CA, v17;
	v8 =	vld [tilespmem:s23+$0x0];
	p0 =	slt.u32 s22, $0x38;
	s20 =	smov.u32 s0;
	s21 =	smov.u32 s1  }
0x10f: {  	v13 =	vsel vm0, v18, v13;
	vm0 =	vgt.f32 v11, v21;
	v28 =	vld [tilespmem:s23+$0xFFFFFFF0];
	vm1 =	vgt.f32 v20, $0.0e+00  }
0x110: {  	v11 =	vsel vm0, v14, v13;
	vm0 =	vgt.f32 v16, v23;
	v13 =	vmax.f32 v16, v23;
	v20 =	vld [tilespmem:s23+$0xFFFFFFE0]  }
0x111: {  	v11 =	vsel vm0, v26, v11;
	vm0 =	vgt.f32 v10, v13;
	v10 =	vmax.f32 v10, v13;
	v14 =	vld [tilespmem:s25+$0xFFFFFFF0]  }
0x112: {  	v11 =	vsel vm0, v27, v11;
	vm0 =	vgt.f32 v25, v10;
	v10 =	vmax.f32 v25, v10;
	v13 =	vld [tilespmem:s23+$0xFFFFFFD0]  }
0x113: {  	v11 =	vsel vm0, v24, v11;
	vm0 =	vgt.f32 v17, v10;
	v10 =	vmax.f32 v17, v10;
	v16 =	vld [tilespmem:s25+$0xFFFFFFE0]  }
0x114: {  	s0 =	sadd.s32 $0x60, s19;
	s19 =	smov.u32 s24;
	vm2 =	vgt.f32 v22, $0.0e+00;
	v11 =	vsel vm0, v12, v11;
	vm0 =	vgt.f32 v19, $0.0e+00;
	v21 =	vld [tilespmem:s23+$0xFFFFFFC0]  }
0x115: {  	v9 =	vnsel vm1, $0xF149F2CA, v9;
	v17 =	vor.u32 s0, v0;
	v15 =	vnsel vm0, $0xF149F2CA, v15;
	v12 =	vld [tilespmem:s25+$0xFFFFFFC0]  }
0x116: {  	vm1 =	vgt.f32 v15, v10;
	v10 =	vmax.f32 v15, v10;
	vm0 =	vgt.f32 v14, $0.0e+00;
	v19 =	vld [tilespmem:s25+$0x0]  }
0x117: {  	v23 =	vmax.f32 v9, v10;
	v14 =	vsel vm1, v17, v11;
	vm1 =	vgt.f32 v9, v10;
	v22 =	vld [tilespmem:s25+$0x10]  }
.Ltmp9:
0x118: {  	s1 =	sadd.s32 $0x70, s24;
	s0 =	sadd.s32 $0x10, s24;
	v11 =	vnsel vm2, $0xF149F2CA, v13;
	v13 =	vsel vm1, v7, v14;
	vm2 =	vgt.f32 v16, $0.0e+00;
	v17 =	vld [tilespmem:s23+$0x10];
	(pc) =	sbr.rel @p0 .LBB2_23-.Ltmp9, $4  }
0x119: {  	v14 =	vor.u32 s0, v0;
	v10 =	vnsel vm0, $0xF149F2CA, v28;
	v7 =	vor.u32 s1, v0;
	v9 =	vld [tilespmem:s23+$0x30]  }
0x11a: {  	v18 =	vor.u32 s24, v0;
	s0 =	sadd.s32 $0x50, s24;
	v16 =	vnsel vm2, $0xF149F2CA, v20;
	vm0 =	vgt.f32 v12, $0.0e+00;
	v20 =	vld [tilespmem:s25+$0x30]  }
0x11b: {  	v12 =	vor.u32 s0, v0;
	v21 =	vnsel vm0, $0xF149F2CA, v21;
	vm1 =	vgt.f32 v19, $0.0e+00;
	v15 =	vld [tilespmem:s23+$0x20];
	s23 =	sadd.s32 $0x400, s23  }
0x11c: {  	s26 =	sadd.s32 $0x40, s19;
	s24 =	sadd.s32 $0x80, s24;
	vm0 =	vgt.f32 v21, v23;
	v21 =	vmax.f32 v21, v23;
	vm2 =	vgt.f32 v22, $0.0e+00;
	v19 =	vld [tilespmem:s25+$0x20];
	s25 =	sadd.s32 $0x80, s25  }
0x11d: {  	_ = 	snop  }
0x11e: {  	v22 =	vmax.f32 v11, v21  }
0x11f: {  	v23 =	vmax.f32 v16, v22  }
0x120: {  	v8 =	vnsel vm1, $0xF149F2CA, v8;
	v24 =	vmax.f32 v10, v23  }
0x121: {  	v17 =	vnsel vm2, $0xF149F2CA, v17;
	v25 =	vmax.f32 v8, v24;
	vm6 =	vgt.f32 v19, $0.0e+00  }
0x122: {  	vm7 =	vgt.f32 v20, $0.0e+00;
	v56 =	vmax.f32 v17, v25;
	v15 =	vnsel vm6, $0xF149F2CA, v15  }
0x123: {  	v9 =	vnsel vm7, $0xF149F2CA, v9;
	v57 =	vmax.f32 v15, v56  }
0x124: {  	v26 =	vmax.f32 v9, v57  }
0x125: {  	(xrf0) =	vmax.scan.msk.f32 $0xffff, v26  }
0x126: {  	v13 =	vsel vm0, v18, v13;
	vm8 =	vgt.f32 v11, v21  }
0x127: {  	v58 =	vor.u32 s20, v0;
	v13 =	vsel vm8, v14, v13;
	vm9 =	vgt.f32 v16, v22  }
0x128: {  	v59 =	vor.u32 s21, v0;
	v11 =	vsel vm9, v58, v13;
	vm10 =	vgt.f32 v10, v23  }
0x129: {  	v60 =	vor.u32 s26, v0;
	v11 =	vsel vm10, v59, v11;
	vm11 =	vgt.f32 v8, v24  }
0x12a: {  	s0 =	sadd.s32 $0x60, s19;
	v8 =	vsel vm11, v60, v11;
	vm12 =	vgt.f32 v17, v25  }
0x12b: {  	v61 =	vor.u32 s0, v0;
	v8 =	vsel vm12, v12, v8;
	vm13 =	vgt.f32 v15, v56;
	v62, _, _ =	vpop (xrf0)  }
0x12c: {  	v8 =	vsel vm13, v61, v8;
	vm14 =	vgt.f32 v9, v57;
	v63 =	vbroadcast v62, $0xF  }
0x12d: {  	v7 =	vsel vm14, v7, v8  }
0x12e: {  	v7 =	vxor.u32 $0x80000000, v7;
	vm15 =	veq.f32 v26, v63  }
0x12f: {  	v7 =	vnsel vm15, $0x80000400, v7  }
0x130: {  	(xrf0) =	vmin.scan.msk.u32 $0xffff, v7;
	_ =	sdelay $0x5  }
0x131: {  	(v2sf) =	vpush v62, $0xF;
	v7, _, _ =	vpop (xrf0)  }
0x132: {  	(v2sf) =	vpush v7, $0xF;
	_ =	sdelay $0xb  }
.Ltmp10:
0x133: {  	_ = 	snop;
	(pc) =	sbr.rel .LBB2_25-.Ltmp10, $4  }
0x134: {  	_ = 	snop  }
0x135: {  	s19 =	spop (v2sf)  }
0x136: {  	s31 =	spop (v2sf)  }
0x137: {  	s20 =	sxor.u32 $0x80000000, s31  }
.LBB2_26:
0x138: {  	s14 =	sadd.s32 $0x1, s14  }
0x139: {  	p0 =	sne.s32 s14, $0x4  }
.Ltmp11:
0x13a: {  	_ = 	snop;
	(pc) =	sbr.rel @p0 .LBB2_12-.Ltmp11, $3  }
0x13b: {  	_ =	sdelay $0x1  }
0x13c: {  	[tilespmem:v1+s15+$0x15800 ss:$0x1] =	vst.idx.msk $0xffff, v6  }
0x13d: {  	[tilespmem:v1+s15+$0x15C00 ss:$0x1] =	vst.idx.msk $0xffff, v4  }
0x13e: {  	[spmem:s6] =	stream.linear.scatter [tilespmem:s7], [sflag:$0x1], $0x40, $0x38;
	[tilespmem:$0x16180] =	vst v63  }
0x13f: {  	_ = 	snop  }
0x140: {  	[spmem:s8] =	stream.linear.scatter [tilespmem:s9], [sflag:$0x1], $0x40, $0x38;
	[tilespmem:$0x16180] =	vst v63  }
0x141: {  	_ =	swait.ge [sflag:s11], $0x40  }
0x142: {  	[sflag:s11] =	ssyncset.done $0x0  }
0x143: {  	[sflag:s11] =	ssyncadd.s32 $0xFFFFFFC0  }
0x144: {  	_ =	swait.ge [sflag:s11], $0x40  }
0x145: {  	[sflag:s11] =	ssyncset.done $0x0  }
0x146: {  	[sflag:s11] =	ssyncadd.s32 $0xFFFFFFC0  }
0x147: {  	[bflag:$0x0] =	sbarrier.arrive $0xFFFF  }
0x148: {  	[tilespmem:s12], [sflag:$0x1] =	stream.linear.gather [spmem:s3], $0x400, $0x38;
	[tilespmem:$0x16180] =	vst v63  }
0x149: {  	_ = 	snop  }
0x14a: {  	[tilespmem:s13], [sflag:$0x1] =	stream.linear.gather [spmem:s4], $0x400, $0x38;
	[tilespmem:$0x16180] =	vst v63  }
0x14b: {  	_ =	swait.ge [sflag:s11], $0x400  }
0x14c: {  	[sflag:s11] =	ssyncset.done $0x0  }
0x14d: {  	[sflag:s11] =	ssyncadd.s32 $0xFFFFFC00  }
0x14e: {  	_ =	swait.ge [sflag:s11], $0x400  }
0x14f: {  	[sflag:s11] =	ssyncset.done $0x0  }
0x150: {  	s15 =	simm.s32 $0x0;
	[sflag:s11] =	ssyncadd.s32 $0xFFFFFC00  }
0x151: {  	v4 =	vld.idx.msk [tilespmem:v3+s15+$0x0 ss:$0x1], $0xffff;
	_ =	sdelay $0x4  }
0x152: {  	vm0 =	vgt.s32 v4, $0x0  }
0x153: {  	v4 =	vnsel vm0, $0x0, v4  }
0x154: {  	v4 =	vmin.u32 v4, $0x3FF;
	_ =	sdelay $0x2  }
0x155: {  	s17 =	simm.s32 $0x10;
	v6 =	vld.idx.msk [tilespmem:v2+s15+$0x0 ss:$0x1], $0xffff  }
0x156: {  	v5 =	vld.idx.msk [tilespmem:v3+s17+$0x0 ss:$0x1], $0xffff  }
0x157: {  	v7 =	vld.idx.msk [tilespmem:v4+s13+$0x0], $0xffff  }
0x158: {  	v8 =	vld [tilespmem:s15+$0x16080]  }
0x159: {  	v9 =	vld [tilespmem:s15+$0x16000];
	_ =	sdelay $0x1  }
0x15a: {  	v10 =	vor.u32 s5, v0;
	vm14 =	vgt.s32 v5, $0x0  }
0x15b: {  	vm15 =	vgt.f32 v6, $0.0e+00;
	v5 =	vnsel vm14, $0x0, v5;
	vm1 =	veq.s32 v7, v10  }
0x15c: {  	s16 =	simm.s32 $0x0;
	v5 =	vmin.u32 v5, $0x3FF;
	vm0 =	vmand vm15, vm1  }
0x15d: {  	s14 =	simm.s32 $0x40;
	s19 =	simm.s32 $0x80;
	s18 =	smov.u32 s5;
	v7 =	vsel vm0, v6, v9;
	v6 =	vsel vm0, v4, v8;
	v4 =	vmov v5  }
.LBB2_28:
0x15e: {  	p0 =	sne.s32 s19, $0xC0  }
0x15f: {  	[tilespmem:s15+$0x16000] =	vst v7;
	s18 =	sadd.s32 $0x10, s18;
	s0 =	smov.u32 s19;
	s19 =	sadd.s32 $0x40, s19  }
0x160: {  	v7 =	vld.idx.msk [tilespmem:v2+s17+$0x0 ss:$0x1], $0xffff;
	[tilespmem:s15+$0x16080] =	vst v6;
	s15 =	smov.u32 s17;
	s17 =	sshra.s32 s0, $0x2  }
0x161: {  	v6 =	vld.idx.msk [tilespmem:v3+s17+$0x0 ss:$0x1], $0xffff  }
0x162: {  	v5 =	vld.idx.msk [tilespmem:v5+s13+$0x0], $0xffff;
	_ =	sdelay $0x1  }
0x163: {  	v8 =	vld [tilespmem:s15+$0x16080]  }
0x164: {  	v9 =	vld [tilespmem:s15+$0x16000]  }
.Ltmp12:
0x165: {  	(pc) =	sbr.rel @p0 .LBB2_28-.Ltmp12, $4  }
0x166: {  	v10 =	vor.u32 s18, v0;
	vm0 =	vgt.s32 v6, $0x0  }
0x167: {  	v6 =	vnsel vm0, $0x0, v6;
	vm0 =	vgt.f32 v7, $0.0e+00;
	vm1 =	veq.s32 v5, v10  }
0x168: {  	v5 =	vmin.u32 v6, $0x3FF;
	vm0 =	vmand vm0, vm1  }
0x169: {  	v6 =	vsel vm0, v4, v8;
	v4 =	vmov v5;
	v7 =	vsel vm0, v7, v9  }
0x16a: {  	_ =	sdelay $0x3  }
0x16b: {  	v8 =	vld.idx.msk [tilespmem:v2+s17+$0x0 ss:$0x1], $0xffff  }
0x16c: {  	v5 =	vld.idx.msk [tilespmem:v5+s13+$0x0], $0xffff;
	_ =	sdelay $0x1  }
0x16d: {  	v9 =	vld [tilespmem:s17+$0x16000]  }
0x16e: {  	s0 =	sadd.s32 $0x10, s18;
	v10 =	vld [tilespmem:s17+$0x16080]  }
0x16f: {  	v11 =	vor.u32 s0, v0  }
0x170: {  	vm0 =	vgt.f32 v8, $0.0e+00;
	vm1 =	veq.s32 v5, v11  }
0x171: {  	[tilespmem:s15+$0x16000] =	vst v7;
	vm0 =	vmand vm0, vm1  }
0x172: {  	[tilespmem:s15+$0x16080] =	vst v6;
	v5 =	vsel vm0, v8, v9  }
0x173: {  	v4 =	vsel vm0, v4, v10;
	[tilespmem:s17+$0x16000] =	vst v5  }
0x174: {  	s25 =	simm.s32 $0x15820;
	[tilespmem:s17+$0x16080] =	vst v4  }
0x175: {  	v12 =	vld [tilespmem:s25+$0xFFFFFFE0]  }
0x176: {  	v14 =	vld [tilespmem:s25+$0xFFFFFFF0]  }
0x177: {  	v15 =	vld [tilespmem:s25+$0x0]  }
0x178: {  	v16 =	vld [tilespmem:s25+$0x10];
	_ =	sdelay $0x1  }
0x179: {  	(xrf0) =	vmax.scan.msk.f32 $0xffff, v12  }
0x17a: {  	(xrf0) =	vmax.scan.msk.f32 $0xffff, v14  }
0x17b: {  	s26 =	simm.s32 $0x15C20;
	(xrf0) =	vmax.scan.msk.f32 $0xffff, v15  }
0x17c: {  	v4 =	vld [tilespmem:s26+$0x10];
	(xrf0) =	vmax.scan.msk.f32 $0xffff, v16;
	_ =	sdelay $0x2  }
0x17d: {  	v6 =	vld [tilespmem:s26+$0xFFFFFFE0];
	v5, _, _ =	vpop (xrf0)  }
0x17e: {  	v8 =	vld [tilespmem:s26+$0xFFFFFFF0];
	(v2sf) =	vpush v5, $0xF;
	v5, _, _ =	vpop (xrf0)  }
0x17f: {  	s15 =	simm.s32 $0x15420;
	v9 =	vld [tilespmem:s26+$0x0];
	vm0 =	vgt.s32 v4, $0x0;
	(v2sf) =	vpush v5, $0xF;
	v7, _, _ =	vpop (xrf0)  }
0x180: {  	s18 =	simm.s32 $0x15C60;
	v18 =	vld [tilespmem:s15+$0x10];
	v4 =	vnsel vm0, $0x0, v4;
	(v2sf) =	vpush v7, $0xF;
	v7, _, _ =	vpop (xrf0)  }
0x181: {  	s17 =	simm.s32 $0x15860;
	v19 =	vld [tilespmem:s18+$0x10];
	v10 =	vmin.u32 v4, $0x3FF;
	(v2sf) =	vpush v7, $0xF  }
0x182: {  	vm0 =	vgt.s32 v6, $0x0;
	v4 =	vld [tilespmem:s17+$0xFFFFFFE0]  }
0x183: {  	v6 =	vnsel vm0, $0x0, v6;
	vm0 =	vgt.s32 v8, $0x0;
	v7 =	vld [tilespmem:s17+$0xFFFFFFF0]  }
0x184: {  	v11 =	vmin.u32 v6, $0x3FF;
	v8 =	vnsel vm0, $0x0, v8;
	v6 =	vld [tilespmem:s17+$0x0]  }
0x185: {  	v13 =	vmin.u32 v8, $0x3FF;
	v8 =	vld [tilespmem:s17+$0x10]  }
0x186: {  	vm0 =	vgt.s32 v9, $0x0;
	v17 =	vld.idx.msk [tilespmem:v10+s13+$0x0], $0xffff  }
0x187: {  	vm1 =	vgt.f32 v15, $0.0e+00;
	v15 =	vld [tilespmem:s18+$0xFFFFFFE0];
	v10 =	vnsel vm0, $0x0, v9;
	(xrf0) =	vmax.scan.msk.f32 $0xffff, v4  }
0x188: {  	v5 =	vld [tilespmem:s15+$0xFFFFFFE0];
	v20 =	vmin.u32 v10, $0x3FF;
	(xrf0) =	vmax.scan.msk.f32 $0xffff, v7  }
0x189: {  	s28 =	simm.s32 $0x30;
	v10 =	vld [tilespmem:s18+$0x0];
	(xrf0) =	vmax.scan.msk.f32 $0xffff, v6  }
0x18a: {  	vm0 =	vgt.f32 v14, $0.0e+00;
	v14 =	vor.u32 s28, v0;
	v21 =	vld.idx.msk [tilespmem:v13+s13+$0x0], $0xffff;
	(xrf0) =	vmax.scan.msk.f32 $0xffff, v8  }
0x18b: {  	vm3 =	vgt.f32 v16, $0.0e+00;
	v13 =	vld [tilespmem:s18+$0xFFFFFFF0];
	vm4 =	veq.s32 v17, v14  }
0x18c: {  	s30 =	simm.s32 $0x10;
	vm2 =	vgt.s32 v19, $0x0;
	v9 =	vld.idx.msk [tilespmem:v11+s13+$0x0], $0xffff;
	vm3 =	vmand vm3, vm4  }
0x18d: {  	s29 =	simm.f32 $-1.000000020e+30;
	v22 =	vor.u32 s30, v0;
	v14 =	vnsel vm2, $0x0, v19;
	v17, _, _ =	vpop (xrf0);
	v16 =	vld.idx.msk [tilespmem:v20+s13+$0x0], $0xffff;
	v19 =	vsel vm3, $0x0, v18;
	s1 =	spop (v2sf)  }
0x18e: {  	s19 =	simm.s32 $0x4;
	v11 =	vor.u32 s16, v0;
	vm2 =	vgt.f32 v12, $0.0e+00;
	v18 =	vld [tilespmem:s15+$0xFFFFFFF0];
	v12, _, _ =	vpop (xrf0);
	(v2sf) =	vpush v17, $0xF;
	s0 =	smax.f32 s29, s1;
	s2 =	spop (v2sf)  }
0x18f: {  	s16 =	simm.s32 $0x15460;
	v14 =	vmin.u32 v14, $0x3FF;
	vm3 =	vgt.s32 v10, $0x0;
	v17 =	vld [tilespmem:s15+$0x0];
	v20, _, _ =	vpop (xrf0);
	(v2sf) =	vpush v12, $0xF;
	s0 =	smax.f32 s0, s2;
	s31 =	spop (v2sf)  }
0x190: {  	s22 =	simm.s32 $0x20;
	vm5 =	vgt.s32 v13, $0x0;
	vm4 =	veq.s32 v21, v22;
	[tilespmem:s15+$0x10] =	vst v19;
	v12 =	vld [tilespmem:s16+$0xFFFFFFE0];
	v19, _, _ =	vpop (xrf0);
	(v2sf) =	vpush v20, $0xF;
	s20 =	smax.f32 s0, s31;
	s21 =	spop (v2sf)  }
.LBB2_30:
0x191: {  	s19 =	sadd.s32 $0x4, s19;
	vm6 =	vgt.s32 v15, $0x0;
	v20 =	vld [tilespmem:s16+$0x10];
	s17 =	sadd.s32 $0x40, s17;
	(v2sf) =	vpush v19, $0xF;
	v19 =	vor.u32 s22, v0;
	s21 =	smax.f32 s20, s21;
	v21 =	vmovc v4  }
0x192: {  	v13 =	vnsel vm5, $0x0, v13;
	vm5 =	veq.s32 v9, v11;
	s20 =	smov.u32 s14;
	v4 =	vld [tilespmem:s17+$0xFFFFFFE0];
	p0 =	slt.u32 s19, $0x3C;
	v15 =	vnsel vm6, $0x0, v15  }
0x193: {  	v13 =	vmin.u32 v13, $0x3FF;
	vm6 =	veq.s32 v16, v19;
	v22 =	vld [tilespmem:s17+$0xFFFFFFF0];
	v9 =	vmin.u32 v15, $0x3FF  }
0x194: {  	v10 =	vnsel vm3, $0x0, v10;
	vm0 =	vmand vm0, vm4;
	vm1 =	vmand vm1, vm6;
	v15 =	vld [tilespmem:s17+$0x0]  }
0x195: {  	vm2 =	vmand vm2, vm5;
	v11 =	vsel vm0, $0x0, v18;
	v17 =	vsel vm1, $0x0, v17;
	v16 =	vld [tilespmem:s17+$0x10]  }
0x196: {  	s18 =	sadd.s32 $0x40, s18;
	v18 =	vsel vm2, $0x0, v5;
	v5 =	vmov v12;
	v14 =	vld.idx.msk [tilespmem:v14+s13+$0x0], $0xffff;
	[tilespmem:s15+$0xFFFFFFF0] =	vst v11  }
0x197: {  	v12 =	vld [tilespmem:s18+$0x10];
	(xrf0) =	vmax.scan.msk.f32 $0xffff, v4;
	[tilespmem:s15+$0xFFFFFFE0] =	vst v18  }
0x198: {  	v18 =	vmin.u32 v10, $0x3FF;
	(xrf0) =	vmax.scan.msk.f32 $0xffff, v22;
	v9 =	vld.idx.msk [tilespmem:v9+s13+$0x0], $0xffff;
	[tilespmem:s15+$0x0] =	vst v17;
	s15 =	smov.u32 s16  }
0x199: {  	v10 =	vld [tilespmem:s18+$0x0];
	(xrf0) =	vmax.scan.msk.f32 $0xffff, v15  }
0x19a: {  	s0 =	sadd.s32 $0x30, s14;
	v11 =	vor.u32 s14, v0;
	(xrf0) =	vmax.scan.msk.f32 $0xffff, v16;
	v23 =	vld.idx.msk [tilespmem:v13+s13+$0x0], $0xffff  }
0x19b: {  	v19 =	vor.u32 s0, v0;
	vm0 =	vgt.f32 v7, $0.0e+00;
	vm1 =	vgt.f32 v6, $0.0e+00;
	v7 =	vmovc v22;
	v6 =	vmovc v15;
	v13 =	vld [tilespmem:s18+$0xFFFFFFF0]  }
.Ltmp13:
0x19c: {  	vm3 =	vgt.f32 v8, $0.0e+00;
	v8 =	vmovc v16;
	vm4 =	veq.s32 v14, v19;
	v15 =	vld [tilespmem:s18+$0xFFFFFFE0];
	vm2 =	vgt.s32 v12, $0x0;
	(pc) =	sbr.rel @p0 .LBB2_30-.Ltmp13, $4  }
0x19d: {  	s14 =	sadd.s32 $0x40, s14;
	vm3 =	vmand vm3, vm4;
	v19 =	vnsel vm2, $0x0, v12;
	v17, _, _ =	vpop (xrf0);
	vm2 =	vgt.f32 v21, $0.0e+00;
	v16 =	vld.idx.msk [tilespmem:v18+s13+$0x0], $0xffff;
	s0 =	spop (v2sf)  }
0x19e: {  	s1 =	sadd.s32 $0x10, s20;
	v22 =	vsel vm3, $0x0, v20;
	v14 =	vmin.u32 v19, $0x3FF;
	(v2sf) =	vpush v17, $0xF;
	v12, _, _ =	vpop (xrf0);
	s0 =	smax.f32 s21, s0;
	v17 =	vld [tilespmem:s16+$0x0];
	s2 =	spop (v2sf)  }
0x19f: {  	v21 =	vor.u32 s1, v0;
	vm3 =	vgt.s32 v10, $0x0;
	s16 =	sadd.s32 $0x40, s16;
	(v2sf) =	vpush v12, $0xF;
	v20, _, _ =	vpop (xrf0);
	v18 =	vld [tilespmem:s15+$0xFFFFFFF0];
	s0 =	smax.f32 s0, s2;
	[tilespmem:s15+$0x10] =	vst v22;
	s1 =	spop (v2sf)  }
0x1a0: {  	s22 =	sadd.s32 $0x20, s20;
	vm4 =	veq.s32 v23, v21;
	v12 =	vld [tilespmem:s16+$0xFFFFFFE0];
	vm5 =	vgt.s32 v13, $0x0;
	(v2sf) =	vpush v20, $0xF;
	v19, _, _ =	vpop (xrf0);
	s20 =	smax.f32 s0, s1;
	s21 =	spop (v2sf)  }
0x1a1: {  	vm6 =	vgt.s32 v15, $0x0;
	(v2sf) =	vpush v19, $0xF;
	v13 =	vnsel vm5, $0x0, v13  }
0x1a2: {  	v15 =	vnsel vm6, $0x0, v15;
	v13 =	vmin.u32 v13, $0x3FF  }
0x1a3: {  	v10 =	vnsel vm3, $0x0, v10;
	v15 =	vmin.u32 v15, $0x3FF  }
0x1a4: {  	v55 =	vld [tilespmem:s16+$0x10];
	v10 =	vmin.u32 v10, $0x3FF  }
0x1a5: {  	v14 =	vld.idx.msk [tilespmem:v14+s13+$0x0], $0xffff  }
0x1a6: {  	v20 =	vor.u32 s22, v0;
	vm14 =	veq.s32 v9, v11;
	v61 =	vld [tilespmem:s16+$0xFFFFFFF0]  }
0x1a7: {  	vm0 =	vmand vm0, vm4;
	v59 =	vor.u32 s14, v0;
	vm15 =	vgt.f32 v7, $0.0e+00;
	v56 =	vld.idx.msk [tilespmem:v13+s13+$0x0], $0xffff  }
0x1a8: {  	s0 =	sadd.s32 $0x30, s14;
	vm8 =	vgt.f32 v8, $0.0e+00;
	vm10 =	vgt.f32 v6, $0.0e+00;
	vm11 =	vgt.f32 v4, $0.0e+00;
	v15 =	vld.idx.msk [tilespmem:v15+s13+$0x0], $0xffff  }
0x1a9: {  	s25 =	sadd.s32 $0x10, s14;
	vm13 =	veq.s32 v16, v20;
	vm2 =	vmand vm2, vm14;
	v60 =	vor.u32 s0, v0;
	v10 =	vld.idx.msk [tilespmem:v10+s13+$0x0], $0xffff  }
0x1aa: {  	v63 =	vor.u32 s25, v0;
	vm1 =	vmand vm1, vm13;
	v5 =	vsel vm2, $0x0, v5  }
0x1ab: {  	v62 =	vld [tilespmem:s16+$0x0];
	s26 =	sadd.s32 $0x20, s14;
	v57 =	vsel vm0, $0x0, v18;
	v58 =	vsel vm1, $0x0, v17;
	[tilespmem:s15+$0xFFFFFFE0] =	vst v5;
	vm9 =	veq.s32 v14, v60  }
0x1ac: {  	v5 =	vor.u32 s26, v0;
	[tilespmem:s15+$0xFFFFFFF0] =	vst v57;
	vm1 =	vmand vm8, vm9;
	vm12 =	veq.s32 v56, v63  }
0x1ad: {  	s1 =	smax.f32 s20, s21;
	[tilespmem:s15+$0x0] =	vst v58;
	v4 =	vsel vm1, $0x0, v55;
	s2 =	spop (v2sf);
	vm13 =	veq.s32 v15, v59;
	vm0 =	vmand vm15, vm12  }
0x1ae: {  	[tilespmem:s16+$0x10] =	vst v4;
	vm14 =	veq.s32 v10, v5;
	s28 =	smax.f32 s1, s2;
	s29 =	spop (v2sf);
	vm2 =	vmand vm11, vm13;
	v4 =	vsel vm0, $0x0, v61  }
0x1af: {  	vm15 =	vmand vm10, vm14;
	s0 =	smax.f32 s28, s29;
	s30 =	spop (v2sf);
	v5 =	vsel vm2, $0x0, v12;
	[tilespmem:s16+$0xFFFFFFF0] =	vst v4  }
0x1b0: {  	v4 =	vsel vm15, $0x0, v62;
	s0 =	smax.f32 s0, s30;
	s31 =	spop (v2sf);
	[tilespmem:s16+$0xFFFFFFE0] =	vst v5  }
0x1b1: {  	[tilespmem:s16+$0x0] =	vst v4;
	s14 =	smax.f32 s0, s31  }
0x1b2: {  	p0 =	sgt.f32 s14, $0.0e+00  }
.Ltmp14:
0x1b3: {  	_ = 	snop;
	(pc) =	sbr.rel @p0 .LBB2_12-.Ltmp14, $2  }
0x1b4: {  	_ =	sdelay $0x2  }
0x1b5: {  	s14 =	simm.s32 $0x0  }
0x1b6: {  	s3 =	simm.s32 $0x0;
	v0 =	vimm.f32 $0.0e+00;
	s4 =	simm.s32 $0x0;
	s5 =	simm.s32 $0x0  }
.LBB2_17:
0x1b7: {  	s0 =	sshll.u32 s4, $0x2;
	s1 =	sand.u32 $0x7, s3  }
0x1b8: {  	s0 =	sand.u32 $0xFFFF8000, s0;
	s1 =	sshll.u32 s1, $0x9  }
0x1b9: {  	s0 =	sor.u32 s1, s0  }
0x1ba: {  	s0 =	sshrl.u32 s0, $0x2  }
0x1bb: {  	s6 =	sor.u32 $0x40, s0  }
0x1bc: {  	[tilespmem:s6+$0xFFFFFFC0] =	vst v0  }
0x1bd: {  	[tilespmem:s6+$0x30] =	vst v0  }
0x1be: {  	[tilespmem:s6+$0x20] =	vst v0  }
0x1bf: {  	[tilespmem:s6+$0x10] =	vst v0  }
0x1c0: {  	[tilespmem:s6+$0x0] =	vst v0  }
0x1c1: {  	[tilespmem:s6+$0xFFFFFFF0] =	vst v0  }
0x1c2: {  	s7 =	simm.s32 $0x0;
	[tilespmem:s6+$0xFFFFFFE0] =	vst v0  }
.LBB2_18:
0x1c3: {  	s7 =	sadd.s32 $0x8, s7;
	[tilespmem:s6+$0xFFFFFFD0] =	vst v0;
	s6 =	sadd.s32 $0x400, s6  }
0x1c4: {  	[tilespmem:s6+$0xFFFFFFC0] =	vst v0;
	p0 =	slt.u32 s7, $0x38  }
0x1c5: {  	[tilespmem:s6+$0x30] =	vst v0  }
.Ltmp15:
0x1c6: {  	[tilespmem:s6+$0x20] =	vst v0;
	(pc) =	sbr.rel @p0 .LBB2_18-.Ltmp15, $4  }
0x1c7: {  	[tilespmem:s6+$0x10] =	vst v0  }
0x1c8: {  	[tilespmem:s6+$0x0] =	vst v0  }
0x1c9: {  	[tilespmem:s6+$0xFFFFFFF0] =	vst v0  }
0x1ca: {  	[tilespmem:s6+$0xFFFFFFE0] =	vst v0  }
0x1cb: {  	s5 =	sadd.s32 $0x1, s5  }
0x1cc: {  	p0 =	sne.s32 s5, $0x40  }
.Ltmp16:
0x1cd: {  	_ = 	snop;
	(pc) =	sbr.rel @p0 .LBB2_17-.Ltmp16, $2  }
0x1ce: {  	_ =	sdelay $0x2  }
0x1cf: {  	[tilespmem:s6+$0xFFFFFFD0] =	vst v0;
	s4 =	sadd.s32 $0x400, s4;
	s3 =	sadd.s32 $0x1, s3  }
0x1d0: {  	v0 =	vimm.s32 $0x2380;
	vm0 =	vcmask $0x300  }
0x1d1: {  	vm1 =	vcmask $0x704;
	v0 =	vsel vm0, $0x0, v0  }
0x1d2: {  	vm2 =	vcmask $0xB08;
	v0 =	vsel vm1, $0x80, v0  }
0x1d3: {  	vm3 =	vcmask $0xF0C;
	v0 =	vsel vm2, $0x100, v0  }
0x1d4: {  	v1 =	vld [tilespmem:$0x16080];
	vm4 =	vcmask $0x1310;
	v0 =	vsel vm3, $0x180, v0  }
0x1d5: {  	vm5 =	vcmask $0x1714;
	v0 =	vsel vm4, $0x200, v0  }
0x1d6: {  	vm6 =	vcmask $0x1B18;
	v0 =	vsel vm5, $0x280, v0  }
0x1d7: {  	vm7 =	vcmask $0x1F1C;
	v0 =	vsel vm6, $0x300, v0  }
0x1d8: {  	vm8 =	vcmask $0x2320;
	v0 =	vsel vm7, $0x380, v0  }
0x1d9: {  	vm9 =	vcmask $0x2724;
	vm10 =	vgt.s32 v1, $0x0;
	v0 =	vsel vm8, $0x2000, v0  }
0x1da: {  	v2 =	vnsel vm10, $0x0, v1;
	vm10 =	vcmask $0x2B28;
	v0 =	vsel vm9, $0x2080, v0  }
0x1db: {  	vm11 =	vcmask $0x2F2C;
	vm12 =	vcmask $0x3330;
	v0 =	vsel vm10, $0x2100, v0  }
0x1dc: {  	vm13 =	vcmask $0x3734;
	v2 =	vmin.u32 v2, $0x3FF;
	v0 =	vsel vm11, $0x2180, v0  }
0x1dd: {  	v3 =	vand.u32 $0x7F, v2;
	v2 =	vshll.u32 v2, $0x3;
	v0 =	vsel vm12, $0x2200, v0  }
0x1de: {  	vm14 =	vcmask $0x3B38;
	v2 =	vand.u32 $0x1C00, v2;
	v0 =	vsel vm13, $0x2280, v0  }
0x1df: {  	vm15 =	vgt.s32 v1, $0xFFFFFFFF;
	v41 =	vor.u32 v2, v3;
	v0 =	vsel vm14, $0x2300, v0  }
0x1e0: {  	v42 =	vld [tilespmem:$0x16000];
	v0 =	vor.u32 v0, v41  }
0x1e1: {  	v43 =	vimm.s32 $0x6380  }
0x1e2: {  	v1 =	vsel vm0, $0x4000, v43  }
0x1e3: {  	v1 =	vsel vm1, $0x4080, v1  }
0x1e4: {  	s3 =	simm.s32 $0x0;
	v1 =	vsel vm2, $0x4100, v1  }
0x1e5: {  	v44 =	vsel vm3, $0x4180, v1;
	[tilespmem:v0+s3+$0x0] =	vst.idx.msk vm15, v42  }
0x1e6: {  	v0 =	vsel vm4, $0x4200, v44;
	v45 =	vld [tilespmem:$0x16090]  }
0x1e7: {  	v0 =	vsel vm5, $0x4280, v0  }
0x1e8: {  	v0 =	vsel vm6, $0x4300, v0  }
0x1e9: {  	v0 =	vsel vm7, $0x4380, v0  }
0x1ea: {  	v0 =	vsel vm8, $0x6000, v0  }
0x1eb: {  	v0 =	vsel vm9, $0x6080, v0;
	vm15 =	vgt.s32 v45, $0x0  }
0x1ec: {  	v0 =	vsel vm10, $0x6100, v0;
	v46 =	vnsel vm15, $0x0, v45  }
0x1ed: {  	v0 =	vsel vm11, $0x6180, v0;
	v2 =	vmin.u32 v46, $0x3FF  }
0x1ee: {  	v0 =	vsel vm12, $0x6200, v0;
	v47 =	vshll.u32 v2, $0x3  }
0x1ef: {  	v2 =	vand.u32 $0x7F, v2;
	v0 =	vsel vm13, $0x6280, v0;
	v3 =	vand.u32 $0x1C00, v47  }
0x1f0: {  	vm15 =	vgt.s32 v45, $0xFFFFFFFF;
	v0 =	vsel vm14, $0x6300, v0;
	v48 =	vor.u32 v3, v2  }
0x1f1: {  	v49 =	vld [tilespmem:$0x16010];
	v0 =	vor.u32 v0, v48  }
0x1f2: {  	v50 =	vimm.s32 $0xA380  }
0x1f3: {  	v1 =	vsel vm0, $0x8000, v50  }
0x1f4: {  	v1 =	vsel vm1, $0x8080, v1  }
0x1f5: {  	v1 =	vsel vm2, $0x8100, v1  }
0x1f6: {  	v51 =	vsel vm3, $0x8180, v1;
	[tilespmem:v0+s3+$0x0] =	vst.idx.msk vm15, v49  }
0x1f7: {  	v0 =	vsel vm4, $0x8200, v51;
	v52 =	vld [tilespmem:$0x160A0]  }
0x1f8: {  	v0 =	vsel vm5, $0x8280, v0  }
0x1f9: {  	v0 =	vsel vm6, $0x8300, v0  }
0x1fa: {  	v0 =	vsel vm7, $0x8380, v0  }
0x1fb: {  	v0 =	vsel vm8, $0xA000, v0  }
0x1fc: {  	v0 =	vsel vm9, $0xA080, v0;
	vm15 =	vgt.s32 v52, $0x0  }
0x1fd: {  	v0 =	vsel vm10, $0xA100, v0;
	v53 =	vnsel vm15, $0x0, v52  }
0x1fe: {  	v0 =	vsel vm11, $0xA180, v0;
	v2 =	vmin.u32 v53, $0x3FF  }
0x1ff: {  	v0 =	vsel vm12, $0xA200, v0;
	v54 =	vshll.u32 v2, $0x3  }
0x200: {  	v2 =	vand.u32 $0x7F, v2;
	v0 =	vsel vm13, $0xA280, v0;
	v3 =	vand.u32 $0x1C00, v54  }
0x201: {  	vm15 =	vgt.s32 v52, $0xFFFFFFFF;
	v0 =	vsel vm14, $0xA300, v0;
	v55 =	vor.u32 v3, v2  }
0x202: {  	v56 =	vld [tilespmem:$0x16020];
	v0 =	vor.u32 v0, v55  }
0x203: {  	v57 =	vimm.s32 $0xE380  }
0x204: {  	v1 =	vsel vm0, $0xC000, v57  }
0x205: {  	v1 =	vsel vm1, $0xC080, v1  }
0x206: {  	v1 =	vsel vm2, $0xC100, v1  }
0x207: {  	v58 =	vsel vm3, $0xC180, v1;
	[tilespmem:v0+s3+$0x0] =	vst.idx.msk vm15, v56  }
0x208: {  	v0 =	vsel vm4, $0xC200, v58;
	v59 =	vld [tilespmem:$0x160B0]  }
0x209: {  	v0 =	vsel vm5, $0xC280, v0  }
0x20a: {  	v0 =	vsel vm6, $0xC300, v0  }
0x20b: {  	v0 =	vsel vm7, $0xC380, v0  }
0x20c: {  	v0 =	vsel vm8, $0xE000, v0  }
0x20d: {  	v0 =	vsel vm9, $0xE080, v0;
	vm8 =	vgt.s32 v59, $0x0  }
0x20e: {  	v0 =	vsel vm10, $0xE100, v0;
	v60 =	vnsel vm8, $0x0, v59  }
0x20f: {  	v0 =	vsel vm11, $0xE180, v0;
	v2 =	vmin.u32 v60, $0x3FF  }
0x210: {  	v0 =	vsel vm12, $0xE200, v0;
	v61 =	vshll.u32 v2, $0x3  }
0x211: {  	v2 =	vand.u32 $0x7F, v2;
	v0 =	vsel vm13, $0xE280, v0;
	v3 =	vand.u32 $0x1C00, v61  }
0x212: {  	vm15 =	vgt.s32 v59, $0xFFFFFFFF;
	v0 =	vsel vm14, $0xE300, v0;
	v62 =	vor.u32 v3, v2  }
0x213: {  	v63 =	vld [tilespmem:$0x16030];
	v0 =	vor.u32 v0, v62;
	_ =	sdelay $0x4  }
0x214: {  	s0 =	rddreg [dreg:$0x6];
	s31 =	simm.s32 $0x2;
	[tilespmem:v0+s3+$0x0] =	vst.idx.msk vm15, v63  }
0x215: {  	[hbm4b:s0+s3] =	stream.linear.scatter [tilespmem:s3], [sflag:$0x2], $0x10000, $0x38;
	[tilespmem:$0x16180] =	vst v63  }
0x216: {  	_ =	swait.ge [sflag:s31], $0x10000  }
0x217: {  	[sflag:s31] =	ssyncset.done $0x0  }
0x218: {  	[sflag:s31] =	ssyncadd.s32 $0xFFFF0000  }
0x219: {  	s1 =	stileid.u32;
	s0 =	rddreg [dreg:$0x5]  }
.LBB2_21:
0x21a: {  	_ =	sfence.sel $0x180000  }
0x21b: {  	[bflag:$0x0] =	sbarrier.arrive $0xFFFF  }
0x21c: {  	p0 =	sne.s32 s1, $0x0;
	_ =	strace $0x90000047  }
0x21d: {  	s0 =	sadd.s32 @!p0 $0x100000, s0;
	[bflag:$0x2] =	sbarrier.arrive $0xFFFF  }
0x21e: {  	[sflag:s0] =	ssyncadd.tile.s32 @!p0 $0x1;
	_ =	shalt  }
.Lfunc_end2:
_tile_overlayer_lowered:
.L_overlay_start_2:
0x21f: {  	(tag) =	ssettag $0x2  }
0x220: {  	s0 =	rddreg [dreg:$0x0];
	s2 =	stileid.u32  }
0x221: {  	s1 =	rddreg [dreg:$0x1];
	p0 =	sne.s32 s2, $0x0  }
0x222: {  	s3 =	rddreg [dreg:$0x2];
	[bflag:$0x3] =	sbarrier.arrive $0xFFFF;
	s2 =	simm.s32 @!p0 $0x1C02  }
0x223: {  	[timem:s3], [sflag:s2] =	dma.local @!p0 [hbm:s0], s1  }
0x224: {  	s0 =	simm.s32 @!p0 $0x2  }
0x225: {  	_ =	swait.ge @!p0 [sflag:s0], s1  }
0x226: {  	s1 =	ssub.s32 @!p0 $0x0, s1;
	[sflag:s0] =	ssyncset.done @!p0 $0x0  }
0x227: {  	[sflag:s0] =	ssyncadd.s32 @!p0 s1  }
0x228: {  	[bflag:$0x3] =	sbarrier.arrive $0xFFFF  }
0x229: {  	_ =	shalt  }

</sc_bundles>
